<compile_context>
chip_gen: v7x
topology: tpu7x:2x2x1
jax: 0.10.2.dev20260603
libtpu: 0.0.44.dev20260713+nightly
codegen_flags: <defaults>
</compile_context>

<pallas_src>
import functools

import jax
import jax.numpy as jnp
from jax import lax
from jax.experimental import pallas as pl
from jax.experimental.pallas import tpu as pltpu
from jax.experimental.pallas import tpu_sc as plsc

NC = 2
NS = 16
GB = 80
NBUF = 3
SB = 3
LN = 16


@functools.lru_cache(maxsize=None)
def _build_sc_agg(n, npad, ng, d):
    assert npad % 128 == 0 and ng % SB == 0 and (ng // SB) % 2 == 0
    rpt = npad // NS
    assert rpt % 128 == 0
    drows = rpt // 128
    mesh = plsc.VectorSubcoreMesh(core_axis_name="c", subcore_axis_name="s")

    @functools.partial(
        pl.kernel,
        mesh=mesh,
        compiler_params=pltpu.CompilerParams(use_tc_tiling_on_sc=False,
                                             needs_layout_passes=False),
        out_type=(
            jax.ShapeDtypeStruct((NC, npad, d), jnp.float32),
            jax.ShapeDtypeStruct((NC, npad // 128, 128), jnp.float32),
        ),
        scratch_types=[
            pltpu.VMEM((2, SB, GB), jnp.int32),
            pltpu.VMEM((2, SB, GB), jnp.int32),
            pltpu.VMEM((NBUF, GB, d), jnp.float32),
            pltpu.VMEM((GB, LN), jnp.float32),
            pltpu.VMEM((80, LN), jnp.float32),
            pltpu.VMEM((drows, 128), jnp.float32),
            pltpu.VMEM_SHARED((npad, d), jnp.float32),
            pltpu.VMEM_SHARED((npad, LN), jnp.float32),
            pltpu.SemaphoreType.DMA((NBUF,)),
            pltpu.SemaphoreType.DMA((NBUF,)),
            pltpu.SemaphoreType.DMA,
            pltpu.SemaphoreType.DMA((2,)),
        ],
    )
    def sc_agg(feat_hbm, src_hbm, dst_hbm, z128_hbm, z16_hbm, ones_hbm,
               out_hbm, deg_hbm,
               sidx, didx, rows, ones, dbuf, ddense, acc, dacc,
               gsem, ssem, qsem, isem):
        c = lax.axis_index("c")
        s = lax.axis_index("s")
        wid = s * NC + c
        base_g = wid * ng

        def idx_load(sb, buf):
            pltpu.async_copy(src_hbm.at[pl.ds(base_g + sb * SB, SB)],
                             sidx.at[buf], isem.at[buf])
            pltpu.async_copy(dst_hbm.at[pl.ds(base_g + sb * SB, SB)],
                             didx.at[buf], isem.at[buf])

        def idx_wait(buf):
            pltpu.make_async_copy(src_hbm.at[pl.ds(base_g, SB)],
                                  sidx.at[buf], isem.at[buf]).wait()
            pltpu.make_async_copy(dst_hbm.at[pl.ds(base_g, SB)],
                                  didx.at[buf], isem.at[buf]).wait()

        idx_load(0, 0)
        pltpu.sync_copy(ones_hbm, ones)
        pltpu.sync_copy(z128_hbm.at[pl.ds(s * rpt, rpt)],
                        acc.at[pl.ds(s * rpt, rpt)])
        pltpu.sync_copy(z16_hbm.at[pl.ds(s * rpt, rpt)],
                        dacc.at[pl.ds(s * rpt, rpt)])
        idx_wait(0)
        for b in range(NBUF):
            pltpu.async_copy(feat_hbm.at[sidx.at[0, b]], rows.at[b],
                             gsem.at[b])
        idx_load(1, 1)
        plsc.subcore_barrier()

        def outer(sb, carry):
            ib = lax.rem(sb, 2)
            for k in range(SB):
                b = k % NBUF
                pltpu.make_async_copy(feat_hbm.at[sidx.at[ib, k]],
                                      rows.at[b], gsem.at[b]).wait()
                pltpu.async_copy(rows.at[b], acc.at[didx.at[ib, k]],
                                 ssem.at[b], add=True)
                pltpu.async_copy(ones, dacc.at[didx.at[ib, k]],
                                 qsem, add=True)
                if k < SB - NBUF:
                    pltpu.make_async_copy(rows.at[b], acc.at[didx.at[ib, k]],
                                          ssem.at[b]).wait()
                    pltpu.async_copy(feat_hbm.at[sidx.at[ib, k + NBUF]],
                                     rows.at[b], gsem.at[b])
                else:
                    kk = k - (SB - NBUF)

                    @pl.when(sb + 1 < ng // SB)
                    def _():
                        if kk == 0:
                            idx_wait(1 - ib)
                        pltpu.make_async_copy(rows.at[b],
                                              acc.at[didx.at[ib, k]],
                                              ssem.at[b]).wait()
                        pltpu.async_copy(feat_hbm.at[sidx.at[1 - ib, kk]],
                                         rows.at[b], gsem.at[b])

            for k in range(SB):
                pltpu.make_async_copy(ones, dacc.at[didx.at[0, 0]],
                                      qsem).wait()

            @pl.when(sb + 2 < ng // SB)
            def _():
                idx_load(sb + 2, ib)

            return carry

        lax.fori_loop(0, ng // SB, outer, 0)
        for b in range(NBUF):
            pltpu.make_async_copy(rows.at[b], acc.at[didx.at[0, b]],
                                  ssem.at[b]).wait()
        plsc.subcore_barrier()
        pltpu.sync_copy(acc.at[pl.ds(s * rpt, rpt)],
                        out_hbm.at[c, pl.ds(s * rpt, rpt)])
        col0 = jnp.zeros((LN,), jnp.int32)
        lane = lax.iota(jnp.int32, LN)
        for t in range(rpt // 80):
            pltpu.sync_copy(dacc.at[pl.ds(s * rpt + t * 80, 80)], dbuf)
            for j in range(5):
                vals = plsc.load_gather(dbuf, [lane + LN * j, col0])
                m = 5 * t + j
                ddense[m // 8, pl.ds((m % 8) * LN, LN)] = vals
        pltpu.sync_copy(ddense, deg_hbm.at[c, pl.ds(s * drows, drows)])

    return sc_agg


def _tc_body(p_ref, d_ref, feat_ref, w_ref, b_ref, out_ref):
    acc = p_ref[0] + p_ref[1]
    deg = d_ref[0] + d_ref[1]
    h = (acc + feat_ref[...]) / (deg + 1.0)
    r = lax.dot_general(h, w_ref[...], (((1,), (1,)), ((), ())),
                        preferred_element_type=jnp.float32)
    r = r + b_ref[...]
    out_ref[...] = jnp.where(r >= 0, r, 0.01 * r)


def kernel(feat, edge_index, W_neigh, b_neigh):
    n, d = feat.shape
    e = edge_index.shape[1]
    npad = -(-n // (NS * 128)) * (NS * 128)
    ng = -(-(-(-e // GB) // (NC * NS)) // (2 * SB)) * (2 * SB)
    e_pad = ng * NC * NS * GB
    pad_i = jnp.arange(e_pad - e, dtype=jnp.int32)
    src = jnp.concatenate([edge_index[0], pad_i % n])
    dst = jnp.concatenate([edge_index[1], n + pad_i % (npad - n)])
    src2d = src.reshape(e_pad // GB, GB)
    dst2d = dst.reshape(e_pad // GB, GB)
    z128 = jnp.zeros((npad, d), jnp.float32)
    z16 = jnp.zeros((npad, LN), jnp.float32)
    onehot = (lax.iota(jnp.int32, LN) == 0).astype(jnp.float32)
    ones_mat = jnp.tile(onehot[None, :], (GB, 1))

    partials, degp = _build_sc_agg(n, npad, ng, d)(
        feat, src2d, dst2d, z128, z16, ones_mat)
    deg3 = degp.reshape(NC, npad, 1)

    bn = 1024
    grid = npad // bn
    out = pl.pallas_call(
        _tc_body,
        grid=(grid,),
        in_specs=[
            pl.BlockSpec((NC, bn, d), lambda i: (0, i, 0)),
            pl.BlockSpec((NC, bn, 1), lambda i: (0, i, 0)),
            pl.BlockSpec((bn, d), lambda i: (i, 0)),
            pl.BlockSpec(W_neigh.shape, lambda i: (0, 0)),
            pl.BlockSpec((1, b_neigh.shape[0]), lambda i: (0, 0)),
        ],
        out_specs=pl.BlockSpec((bn, d), lambda i: (i, 0)),
        out_shape=jax.ShapeDtypeStruct((n, d), jnp.float32),
    )(partials, deg3, feat, W_neigh, b_neigh.reshape(1, -1))
    return out

# --- scband reference (transcript-rebuilt; emitter-appended) ---
"""Pipeline reference for scband-my-graph-sage-11622181503640 (READ-ONLY COPY).

The authoritative reference and input builder live on the scoring server;
editing this copy changes nothing except your own understanding.
"""

import jax, jax.numpy as jnp
import numpy as np

N = 10000
E = 320000
D_IN = 128
D_OUT = 128


def setup_inputs(seed: int = 0) -> dict:
    key = jax.random.key(seed)
    k1, k2, k3 = jax.random.split(key, 3)
    feat = jax.random.normal(k1, (N, D_IN), dtype=jnp.float32)
    edge_index = jax.random.randint(k2, (2, E), 0, N, dtype=jnp.int32)
    # DGL SAGEConv ('gcn' aggregator) learned params: fc_neigh weight + bias
    W_neigh = jax.random.normal(k3, (D_OUT, D_IN), dtype=jnp.float32) * 0.05
    b_neigh = jnp.zeros((D_OUT,), dtype=jnp.float32)
    return {"feat": feat, "edge_index": edge_index, "W_neigh": W_neigh, "b_neigh": b_neigh}


def reference(feat, edge_index, W_neigh, b_neigh):
    # DGL SAGEConv, aggregator_type='gcn':
    #   h_neigh = (sum_{u in N(v)} feat_u + feat_v) / (in_deg(v) + 1)
    #   rst = fc_neigh(h_neigh)
    # followed by leaky_relu (negative_slope=0.01) from MyGraphSage.forward
    src = edge_index[0]
    dst = edge_index[1]
    msgs = jnp.take(feat, src, axis=0)                      # gather: [E, D_IN]
    agg = jax.ops.segment_sum(msgs, dst, num_segments=N)    # scatter-add: [N, D_IN]
    deg = jax.ops.segment_sum(jnp.ones((E,), dtype=feat.dtype), dst, num_segments=N)
    h_neigh = (agg + feat) / (deg + 1.0)[:, None]
    rst = h_neigh @ W_neigh.T + b_neigh
    out = jnp.where(rst >= 0, rst, 0.01 * rst)               # leaky_relu
    return out

if __name__ == "__main__":
    import jax
    _d = setup_inputs()
    print(jax.jit(kernel)(*tuple(_d.values())))

</pallas_src>

<mosaic_0001>
#map = affine_map<(d0, d1) -> (0, 0)>
#map1 = affine_map<(d0, d1) -> (0, 0, 0)>
module attributes {stable_mosaic.version = 14 : i64} {
  func.func @sc_agg(%arg0: i32, %arg1: i32, %arg2: memref<10000x128xf32, #tpu.memory_space<hbm>>, %arg3: memref<4032x80xi32, #tpu.memory_space<hbm>>, %arg4: memref<4032x80xi32, #tpu.memory_space<hbm>>, %arg5: memref<10240x128xf32, #tpu.memory_space<hbm>>, %arg6: memref<10240x16xf32, #tpu.memory_space<hbm>>, %arg7: memref<80x16xf32, #tpu.memory_space<hbm>>, %arg8: memref<2x10240x128xf32, #tpu.memory_space<hbm>>, %arg9: memref<2x80x128xf32, #tpu.memory_space<hbm>>, %arg10: memref<2x3x80xi32, #tpu.memory_space<vmem>>, %arg11: memref<2x3x80xi32, #tpu.memory_space<vmem>>, %arg12: memref<3x80x128xf32, #tpu.memory_space<vmem>>, %arg13: memref<80x16xf32, #tpu.memory_space<vmem>>, %arg14: memref<80x16xf32, #tpu.memory_space<vmem>>, %arg15: memref<5x128xf32, #tpu.memory_space<vmem>>, %arg16: memref<10240x128xf32, #tpu.memory_space<vmem_shared>>, %arg17: memref<10240x16xf32, #tpu.memory_space<vmem_shared>>, %arg18: memref<3x!tpu.dma_semaphore, #tpu.memory_space<semaphore_mem>>, %arg19: memref<3x!tpu.dma_semaphore, #tpu.memory_space<semaphore_mem>>, %arg20: memref<!tpu.dma_semaphore, #tpu.memory_space<semaphore_mem>>, %arg21: memref<2x!tpu.dma_semaphore, #tpu.memory_space<semaphore_mem>>) attributes {dimension_semantics = [#tpu.dimension_semantics<core_parallel>, #tpu.dimension_semantics<subcore_parallel>], iteration_bounds = array<i64: 2, 16>, scalar_prefetch = 0 : i64, scratch_operands = 12 : i64, tpu.core_type = #tpu.core_type<sc_vector_subcore>, window_params = [{transform_indices = #map}, {transform_indices = #map}, {transform_indices = #map}, {transform_indices = #map}, {transform_indices = #map}, {transform_indices = #map}, {transform_indices = #map1}, {transform_indices = #map1}]} {
    %mul3A = arith.constant 2 : i32
    %mul3A_0 = arith.muli %arg1, %mul3A : i32
    %add3A = arith.addi %mul3A_0, %arg0 : i32
    %mul3A_1 = arith.constant 126 : i32
    %mul3A_2 = arith.muli %add3A, %mul3A_1 : i32
    %add3A_3 = arith.constant 0 : i32
    %add3A_4 = arith.addi %mul3A_2, %add3A_3 : i32
    %dma_start3A = arith.constant 0 : i32
    %dma_start3A_5 = arith.constant 0 : i32
    %dma_start3A_6 = arith.constant 0 : i32
    %dma_start3A_7 = arith.constant 0 : i32
    %dma_start3A_8 = tpu.memref_slice %arg10[%dma_start3A, %dma_start3A_6, %dma_start3A_7] : memref<2x3x80xi32, #tpu.memory_space<vmem>> -> memref<1x3x80xi32, #tpu.memory_space<vmem>>
    %dma_start3A_9 = tpu.memref_squeeze %dma_start3A_8 : memref<1x3x80xi32, #tpu.memory_space<vmem>> -> memref<3x80xi32, #tpu.memory_space<vmem>>
    %dma_start3A_10 = arith.constant 0 : i32
    %dma_start3A_11 = tpu.memref_slice %arg3[%add3A_4, %dma_start3A_10] : memref<4032x80xi32, #tpu.memory_space<hbm>> -> memref<3x80xi32, #tpu.memory_space<hbm>>
    %dma_start3A_12 = tpu.memref_slice %arg21[%dma_start3A_5] : memref<2x!tpu.dma_semaphore, #tpu.memory_space<semaphore_mem>> -> memref<1x!tpu.dma_semaphore, #tpu.memory_space<semaphore_mem>>
    %dma_start3A_13 = tpu.memref_squeeze %dma_start3A_12 : memref<1x!tpu.dma_semaphore, #tpu.memory_space<semaphore_mem>> -> memref<!tpu.dma_semaphore, #tpu.memory_space<semaphore_mem>>
    %dma_start3A_14 = arith.constant 0 : i32
    %dma_start3A_15 = arith.constant 0 : i32
    %dma_start3A_16 = tpu.memref_slice %arg10[%dma_start3A, %dma_start3A_14, %dma_start3A_15] : memref<2x3x80xi32, #tpu.memory_space<vmem>> -> memref<1x3x80xi32, #tpu.memory_space<vmem>>
    %dma_start3A_17 = tpu.memref_squeeze %dma_start3A_16 : memref<1x3x80xi32, #tpu.memory_space<vmem>> -> memref<3x80xi32, #tpu.memory_space<vmem>>
    %dma_start3A_18 = arith.constant 0 : i32
    %dma_start3A_19 = tpu.memref_slice %arg3[%add3A_4, %dma_start3A_18] : memref<4032x80xi32, #tpu.memory_space<hbm>> -> memref<3x80xi32, #tpu.memory_space<hbm>>
    tpu.enqueue_dma source(%dma_start3A_19 : memref<3x80xi32, #tpu.memory_space<hbm>>) target(%dma_start3A_17 : memref<3x80xi32, #tpu.memory_space<vmem>>) target_semaphore(%dma_start3A_13 : memref<!tpu.dma_semaphore, #tpu.memory_space<semaphore_mem>>)
    %add3A_20 = arith.constant 0 : i32
    %add3A_21 = arith.addi %mul3A_2, %add3A_20 : i32
    %dma_start3A_22 = arith.constant 0 : i32
    %dma_start3A_23 = arith.constant 0 : i32
    %dma_start3A_24 = arith.constant 0 : i32
    %dma_start3A_25 = arith.constant 0 : i32
    %dma_start3A_26 = tpu.memref_slice %arg11[%dma_start3A_22, %dma_start3A_24, %dma_start3A_25] : memref<2x3x80xi32, #tpu.memory_space<vmem>> -> memref<1x3x80xi32, #tpu.memory_space<vmem>>
    %dma_start3A_27 = tpu.memref_squeeze %dma_start3A_26 : memref<1x3x80xi32, #tpu.memory_space<vmem>> -> memref<3x80xi32, #tpu.memory_space<vmem>>
    %dma_start3A_28 = arith.constant 0 : i32
    %dma_start3A_29 = tpu.memref_slice %arg4[%add3A_21, %dma_start3A_28] : memref<4032x80xi32, #tpu.memory_space<hbm>> -> memref<3x80xi32, #tpu.memory_space<hbm>>
    %dma_start3A_30 = tpu.memref_slice %arg21[%dma_start3A_23] : memref<2x!tpu.dma_semaphore, #tpu.memory_space<semaphore_mem>> -> memref<1x!tpu.dma_semaphore, #tpu.memory_space<semaphore_mem>>
    %dma_start3A_31 = tpu.memref_squeeze %dma_start3A_30 : memref<1x!tpu.dma_semaphore, #tpu.memory_space<semaphore_mem>> -> memref<!tpu.dma_semaphore, #tpu.memory_space<semaphore_mem>>
    %dma_start3A_32 = arith.constant 0 : i32
    %dma_start3A_33 = arith.constant 0 : i32
    %dma_start3A_34 = tpu.memref_slice %arg11[%dma_start3A_22, %dma_start3A_32, %dma_start3A_33] : memref<2x3x80xi32, #tpu.memory_space<vmem>> -> memref<1x3x80xi32, #tpu.memory_space<vmem>>
    %dma_start3A_35 = tpu.memref_squeeze %dma_start3A_34 : memref<1x3x80xi32, #tpu.memory_space<vmem>> -> memref<3x80xi32, #tpu.memory_space<vmem>>
    %dma_start3A_36 = arith.constant 0 : i32
    %dma_start3A_37 = tpu.memref_slice %arg4[%add3A_21, %dma_start3A_36] : memref<4032x80xi32, #tpu.memory_space<hbm>> -> memref<3x80xi32, #tpu.memory_space<hbm>>
    tpu.enqueue_dma source(%dma_start3A_37 : memref<3x80xi32, #tpu.memory_space<hbm>>) target(%dma_start3A_35 : memref<3x80xi32, #tpu.memory_space<vmem>>) target_semaphore(%dma_start3A_31 : memref<!tpu.dma_semaphore, #tpu.memory_space<semaphore_mem>>)
    "tpu.region"() ({
      %run_scoped3A = tpu.sem_alloc : memref<!tpu.dma_semaphore, #tpu.memory_space<semaphore_mem>>
      tpu.enqueue_dma source(%arg7 : memref<80x16xf32, #tpu.memory_space<hbm>>) target(%arg13 : memref<80x16xf32, #tpu.memory_space<vmem>>) target_semaphore(%run_scoped3A : memref<!tpu.dma_semaphore, #tpu.memory_space<semaphore_mem>>)
      tpu.wait_dma2 semaphore(%run_scoped3A : memref<!tpu.dma_semaphore, #tpu.memory_space<semaphore_mem>>) src(%arg7 : memref<80x16xf32, #tpu.memory_space<hbm>>) dst(%arg13 : memref<80x16xf32, #tpu.memory_space<vmem>>)
      tpu.yield
    }) : () -> ()
    %mul3A_38 = arith.constant 640 : i32
    %mul3A_39 = arith.muli %arg1, %mul3A_38 : i32
    %mul3A_40 = arith.constant 640 : i32
    %mul3A_41 = arith.muli %arg1, %mul3A_40 : i32
    "tpu.region"() ({
      %run_scoped3A = tpu.sem_alloc : memref<!tpu.dma_semaphore, #tpu.memory_space<semaphore_mem>>
      %dma_start3A_572 = arith.constant 0 : i32
      %dma_start3A_573 = tpu.memref_slice %arg16[%mul3A_41, %dma_start3A_572] : memref<10240x128xf32, #tpu.memory_space<vmem_shared>> -> memref<640x128xf32, #tpu.memory_space<vmem_shared>>
      %dma_start3A_574 = arith.constant 0 : i32
      %dma_start3A_575 = tpu.memref_slice %arg5[%mul3A_39, %dma_start3A_574] : memref<10240x128xf32, #tpu.memory_space<hbm>> -> memref<640x128xf32, #tpu.memory_space<hbm>>
      tpu.enqueue_dma source(%dma_start3A_575 : memref<640x128xf32, #tpu.memory_space<hbm>>) target(%dma_start3A_573 : memref<640x128xf32, #tpu.memory_space<vmem_shared>>) target_semaphore(%run_scoped3A : memref<!tpu.dma_semaphore, #tpu.memory_space<semaphore_mem>>)
      %dma_wait3A_576 = arith.constant 0 : i32
      %dma_wait3A_577 = tpu.memref_slice %arg16[%mul3A_41, %dma_wait3A_576] : memref<10240x128xf32, #tpu.memory_space<vmem_shared>> -> memref<640x128xf32, #tpu.memory_space<vmem_shared>>
      %dma_wait3A_578 = arith.constant 0 : i32
      %dma_wait3A_579 = tpu.memref_slice %arg5[%mul3A_39, %dma_wait3A_578] : memref<10240x128xf32, #tpu.memory_space<hbm>> -> memref<640x128xf32, #tpu.memory_space<hbm>>
      tpu.wait_dma2 semaphore(%run_scoped3A : memref<!tpu.dma_semaphore, #tpu.memory_space<semaphore_mem>>) src(%dma_wait3A_579 : memref<640x128xf32, #tpu.memory_space<hbm>>) dst(%dma_wait3A_577 : memref<640x128xf32, #tpu.memory_space<vmem_shared>>)
      tpu.yield
    }) : () -> ()
    %mul3A_42 = arith.constant 640 : i32
    %mul3A_43 = arith.muli %arg1, %mul3A_42 : i32
    %mul3A_44 = arith.constant 640 : i32
    %mul3A_45 = arith.muli %arg1, %mul3A_44 : i32
    "tpu.region"() ({
      %run_scoped3A = tpu.sem_alloc : memref<!tpu.dma_semaphore, #tpu.memory_space<semaphore_mem>>
      %dma_start3A_572 = arith.constant 0 : i32
      %dma_start3A_573 = tpu.memref_slice %arg17[%mul3A_45, %dma_start3A_572] : memref<10240x16xf32, #tpu.memory_space<vmem_shared>> -> memref<640x16xf32, #tpu.memory_space<vmem_shared>>
      %dma_start3A_574 = arith.constant 0 : i32
      %dma_start3A_575 = tpu.memref_slice %arg6[%mul3A_43, %dma_start3A_574] : memref<10240x16xf32, #tpu.memory_space<hbm>> -> memref<640x16xf32, #tpu.memory_space<hbm>>
      tpu.enqueue_dma source(%dma_start3A_575 : memref<640x16xf32, #tpu.memory_space<hbm>>) target(%dma_start3A_573 : memref<640x16xf32, #tpu.memory_space<vmem_shared>>) target_semaphore(%run_scoped3A : memref<!tpu.dma_semaphore, #tpu.memory_space<semaphore_mem>>)
      %dma_wait3A_576 = arith.constant 0 : i32
      %dma_wait3A_577 = tpu.memref_slice %arg17[%mul3A_45, %dma_wait3A_576] : memref<10240x16xf32, #tpu.memory_space<vmem_shared>> -> memref<640x16xf32, #tpu.memory_space<vmem_shared>>
      %dma_wait3A_578 = arith.constant 0 : i32
      %dma_wait3A_579 = tpu.memref_slice %arg6[%mul3A_43, %dma_wait3A_578] : memref<10240x16xf32, #tpu.memory_space<hbm>> -> memref<640x16xf32, #tpu.memory_space<hbm>>
      tpu.wait_dma2 semaphore(%run_scoped3A : memref<!tpu.dma_semaphore, #tpu.memory_space<semaphore_mem>>) src(%dma_wait3A_579 : memref<640x16xf32, #tpu.memory_space<hbm>>) dst(%dma_wait3A_577 : memref<640x16xf32, #tpu.memory_space<vmem_shared>>)
      tpu.yield
    }) : () -> ()
    %dma_wait3A = arith.constant 0 : i32
    %dma_wait3A_46 = arith.constant 0 : i32
    %dma_wait3A_47 = arith.constant 0 : i32
    %dma_wait3A_48 = arith.constant 0 : i32
    %dma_wait3A_49 = tpu.memref_slice %arg10[%dma_wait3A, %dma_wait3A_47, %dma_wait3A_48] : memref<2x3x80xi32, #tpu.memory_space<vmem>> -> memref<1x3x80xi32, #tpu.memory_space<vmem>>
    %dma_wait3A_50 = tpu.memref_squeeze %dma_wait3A_49 : memref<1x3x80xi32, #tpu.memory_space<vmem>> -> memref<3x80xi32, #tpu.memory_space<vmem>>
    %dma_wait3A_51 = arith.constant 0 : i32
    %dma_wait3A_52 = tpu.memref_slice %arg3[%mul3A_2, %dma_wait3A_51] : memref<4032x80xi32, #tpu.memory_space<hbm>> -> memref<3x80xi32, #tpu.memory_space<hbm>>
    %dma_wait3A_53 = tpu.memref_slice %arg21[%dma_wait3A_46] : memref<2x!tpu.dma_semaphore, #tpu.memory_space<semaphore_mem>> -> memref<1x!tpu.dma_semaphore, #tpu.memory_space<semaphore_mem>>
    %dma_wait3A_54 = tpu.memref_squeeze %dma_wait3A_53 : memref<1x!tpu.dma_semaphore, #tpu.memory_space<semaphore_mem>> -> memref<!tpu.dma_semaphore, #tpu.memory_space<semaphore_mem>>
    %dma_wait3A_55 = arith.constant 0 : i32
    %dma_wait3A_56 = arith.constant 0 : i32
    %dma_wait3A_57 = tpu.memref_slice %arg10[%dma_wait3A, %dma_wait3A_55, %dma_wait3A_56] : memref<2x3x80xi32, #tpu.memory_space<vmem>> -> memref<1x3x80xi32, #tpu.memory_space<vmem>>
    %dma_wait3A_58 = tpu.memref_squeeze %dma_wait3A_57 : memref<1x3x80xi32, #tpu.memory_space<vmem>> -> memref<3x80xi32, #tpu.memory_space<vmem>>
    %dma_wait3A_59 = arith.constant 0 : i32
    %dma_wait3A_60 = tpu.memref_slice %arg3[%mul3A_2, %dma_wait3A_59] : memref<4032x80xi32, #tpu.memory_space<hbm>> -> memref<3x80xi32, #tpu.memory_space<hbm>>
    tpu.wait_dma2 semaphore(%dma_wait3A_54 : memref<!tpu.dma_semaphore, #tpu.memory_space<semaphore_mem>>) src(%dma_wait3A_60 : memref<3x80xi32, #tpu.memory_space<hbm>>) dst(%dma_wait3A_58 : memref<3x80xi32, #tpu.memory_space<vmem>>)
    %dma_wait3A_61 = arith.constant 0 : i32
    %dma_wait3A_62 = arith.constant 0 : i32
    %dma_wait3A_63 = arith.constant 0 : i32
    %dma_wait3A_64 = arith.constant 0 : i32
    %dma_wait3A_65 = tpu.memref_slice %arg11[%dma_wait3A_61, %dma_wait3A_63, %dma_wait3A_64] : memref<2x3x80xi32, #tpu.memory_space<vmem>> -> memref<1x3x80xi32, #tpu.memory_space<vmem>>
    %dma_wait3A_66 = tpu.memref_squeeze %dma_wait3A_65 : memref<1x3x80xi32, #tpu.memory_space<vmem>> -> memref<3x80xi32, #tpu.memory_space<vmem>>
    %dma_wait3A_67 = arith.constant 0 : i32
    %dma_wait3A_68 = tpu.memref_slice %arg4[%mul3A_2, %dma_wait3A_67] : memref<4032x80xi32, #tpu.memory_space<hbm>> -> memref<3x80xi32, #tpu.memory_space<hbm>>
    %dma_wait3A_69 = tpu.memref_slice %arg21[%dma_wait3A_62] : memref<2x!tpu.dma_semaphore, #tpu.memory_space<semaphore_mem>> -> memref<1x!tpu.dma_semaphore, #tpu.memory_space<semaphore_mem>>
    %dma_wait3A_70 = tpu.memref_squeeze %dma_wait3A_69 : memref<1x!tpu.dma_semaphore, #tpu.memory_space<semaphore_mem>> -> memref<!tpu.dma_semaphore, #tpu.memory_space<semaphore_mem>>
    %dma_wait3A_71 = arith.constant 0 : i32
    %dma_wait3A_72 = arith.constant 0 : i32
    %dma_wait3A_73 = tpu.memref_slice %arg11[%dma_wait3A_61, %dma_wait3A_71, %dma_wait3A_72] : memref<2x3x80xi32, #tpu.memory_space<vmem>> -> memref<1x3x80xi32, #tpu.memory_space<vmem>>
    %dma_wait3A_74 = tpu.memref_squeeze %dma_wait3A_73 : memref<1x3x80xi32, #tpu.memory_space<vmem>> -> memref<3x80xi32, #tpu.memory_space<vmem>>
    %dma_wait3A_75 = arith.constant 0 : i32
    %dma_wait3A_76 = tpu.memref_slice %arg4[%mul3A_2, %dma_wait3A_75] : memref<4032x80xi32, #tpu.memory_space<hbm>> -> memref<3x80xi32, #tpu.memory_space<hbm>>
    tpu.wait_dma2 semaphore(%dma_wait3A_70 : memref<!tpu.dma_semaphore, #tpu.memory_space<semaphore_mem>>) src(%dma_wait3A_76 : memref<3x80xi32, #tpu.memory_space<hbm>>) dst(%dma_wait3A_74 : memref<3x80xi32, #tpu.memory_space<vmem>>)
    %dma_start3A_77 = arith.constant 0 : i32
    %dma_start3A_78 = arith.constant 0 : i32
    %dma_start3A_79 = arith.constant 0 : i32
    %dma_start3A_80 = arith.constant 0 : i32
    %dma_start3A_81 = arith.constant 0 : i32
    %dma_start3A_82 = arith.constant 0 : i32
    %dma_start3A_83 = tpu.memref_slice %arg12[%dma_start3A_79, %dma_start3A_81, %dma_start3A_82] : memref<3x80x128xf32, #tpu.memory_space<vmem>> -> memref<1x80x128xf32, #tpu.memory_space<vmem>>
    %dma_start3A_84 = tpu.memref_squeeze %dma_start3A_83 : memref<1x80x128xf32, #tpu.memory_space<vmem>> -> memref<80x128xf32, #tpu.memory_space<vmem>>
    %dma_start3A_85 = arith.constant 0 : i32
    %dma_start3A_86 = tpu.memref_slice %arg10[%dma_start3A_77, %dma_start3A_78, %dma_start3A_85] : memref<2x3x80xi32, #tpu.memory_space<vmem>> -> memref<1x1x80xi32, #tpu.memory_space<vmem>>
    %dma_start3A_87 = tpu.memref_squeeze %dma_start3A_86 : memref<1x1x80xi32, #tpu.memory_space<vmem>> -> memref<80xi32, #tpu.memory_space<vmem>>
    %dma_start3A_88 = arith.constant 0 : i32
    %dma_start3A_89 = arith.constant 0 : i32
    %dma_start3A_90 = tpu.memref_slice %arg2[%dma_start3A_88, %dma_start3A_89] : memref<10000x128xf32, #tpu.memory_space<hbm>> -> memref<10000x128xf32, #tpu.memory_space<hbm>>
    %dma_start3A_91 = tpu.memref_slice %arg18[%dma_start3A_80] : memref<3x!tpu.dma_semaphore, #tpu.memory_space<semaphore_mem>> -> memref<1x!tpu.dma_semaphore, #tpu.memory_space<semaphore_mem>>
    %dma_start3A_92 = tpu.memref_squeeze %dma_start3A_91 : memref<1x!tpu.dma_semaphore, #tpu.memory_space<semaphore_mem>> -> memref<!tpu.dma_semaphore, #tpu.memory_space<semaphore_mem>>
    tpu.enqueue_indirect_dma source(%dma_start3A_90 : memref<10000x128xf32, #tpu.memory_space<hbm>>) target(%dma_start3A_84 : memref<80x128xf32, #tpu.memory_space<vmem>>) offsets(%dma_start3A_87 : memref<80xi32, #tpu.memory_space<vmem>>) semaphore(%dma_start3A_92 : memref<!tpu.dma_semaphore, #tpu.memory_space<semaphore_mem>>)
    %dma_start3A_93 = arith.constant 0 : i32
    %dma_start3A_94 = arith.constant 1 : i32
    %dma_start3A_95 = arith.constant 1 : i32
    %dma_start3A_96 = arith.constant 1 : i32
    %dma_start3A_97 = arith.constant 0 : i32
    %dma_start3A_98 = arith.constant 0 : i32
    %dma_start3A_99 = tpu.memref_slice %arg12[%dma_start3A_95, %dma_start3A_97, %dma_start3A_98] : memref<3x80x128xf32, #tpu.memory_space<vmem>> -> memref<1x80x128xf32, #tpu.memory_space<vmem>>
    %dma_start3A_100 = tpu.memref_squeeze %dma_start3A_99 : memref<1x80x128xf32, #tpu.memory_space<vmem>> -> memref<80x128xf32, #tpu.memory_space<vmem>>
    %dma_start3A_101 = arith.constant 0 : i32
    %dma_start3A_102 = tpu.memref_slice %arg10[%dma_start3A_93, %dma_start3A_94, %dma_start3A_101] : memref<2x3x80xi32, #tpu.memory_space<vmem>> -> memref<1x1x80xi32, #tpu.memory_space<vmem>>
    %dma_start3A_103 = tpu.memref_squeeze %dma_start3A_102 : memref<1x1x80xi32, #tpu.memory_space<vmem>> -> memref<80xi32, #tpu.memory_space<vmem>>
    %dma_start3A_104 = arith.constant 0 : i32
    %dma_start3A_105 = arith.constant 0 : i32
    %dma_start3A_106 = tpu.memref_slice %arg2[%dma_start3A_104, %dma_start3A_105] : memref<10000x128xf32, #tpu.memory_space<hbm>> -> memref<10000x128xf32, #tpu.memory_space<hbm>>
    %dma_start3A_107 = tpu.memref_slice %arg18[%dma_start3A_96] : memref<3x!tpu.dma_semaphore, #tpu.memory_space<semaphore_mem>> -> memref<1x!tpu.dma_semaphore, #tpu.memory_space<semaphore_mem>>
    %dma_start3A_108 = tpu.memref_squeeze %dma_start3A_107 : memref<1x!tpu.dma_semaphore, #tpu.memory_space<semaphore_mem>> -> memref<!tpu.dma_semaphore, #tpu.memory_space<semaphore_mem>>
    tpu.enqueue_indirect_dma source(%dma_start3A_106 : memref<10000x128xf32, #tpu.memory_space<hbm>>) target(%dma_start3A_100 : memref<80x128xf32, #tpu.memory_space<vmem>>) offsets(%dma_start3A_103 : memref<80xi32, #tpu.memory_space<vmem>>) semaphore(%dma_start3A_108 : memref<!tpu.dma_semaphore, #tpu.memory_space<semaphore_mem>>)
    %dma_start3A_109 = arith.constant 0 : i32
    %dma_start3A_110 = arith.constant 2 : i32
    %dma_start3A_111 = arith.constant 2 : i32
    %dma_start3A_112 = arith.constant 2 : i32
    %dma_start3A_113 = arith.constant 0 : i32
    %dma_start3A_114 = arith.constant 0 : i32
    %dma_start3A_115 = tpu.memref_slice %arg12[%dma_start3A_111, %dma_start3A_113, %dma_start3A_114] : memref<3x80x128xf32, #tpu.memory_space<vmem>> -> memref<1x80x128xf32, #tpu.memory_space<vmem>>
    %dma_start3A_116 = tpu.memref_squeeze %dma_start3A_115 : memref<1x80x128xf32, #tpu.memory_space<vmem>> -> memref<80x128xf32, #tpu.memory_space<vmem>>
    %dma_start3A_117 = arith.constant 0 : i32
    %dma_start3A_118 = tpu.memref_slice %arg10[%dma_start3A_109, %dma_start3A_110, %dma_start3A_117] : memref<2x3x80xi32, #tpu.memory_space<vmem>> -> memref<1x1x80xi32, #tpu.memory_space<vmem>>
    %dma_start3A_119 = tpu.memref_squeeze %dma_start3A_118 : memref<1x1x80xi32, #tpu.memory_space<vmem>> -> memref<80xi32, #tpu.memory_space<vmem>>
    %dma_start3A_120 = arith.constant 0 : i32
    %dma_start3A_121 = arith.constant 0 : i32
    %dma_start3A_122 = tpu.memref_slice %arg2[%dma_start3A_120, %dma_start3A_121] : memref<10000x128xf32, #tpu.memory_space<hbm>> -> memref<10000x128xf32, #tpu.memory_space<hbm>>
    %dma_start3A_123 = tpu.memref_slice %arg18[%dma_start3A_112] : memref<3x!tpu.dma_semaphore, #tpu.memory_space<semaphore_mem>> -> memref<1x!tpu.dma_semaphore, #tpu.memory_space<semaphore_mem>>
    %dma_start3A_124 = tpu.memref_squeeze %dma_start3A_123 : memref<1x!tpu.dma_semaphore, #tpu.memory_space<semaphore_mem>> -> memref<!tpu.dma_semaphore, #tpu.memory_space<semaphore_mem>>
    tpu.enqueue_indirect_dma source(%dma_start3A_122 : memref<10000x128xf32, #tpu.memory_space<hbm>>) target(%dma_start3A_116 : memref<80x128xf32, #tpu.memory_space<vmem>>) offsets(%dma_start3A_119 : memref<80xi32, #tpu.memory_space<vmem>>) semaphore(%dma_start3A_124 : memref<!tpu.dma_semaphore, #tpu.memory_space<semaphore_mem>>)
    %add3A_125 = arith.constant 3 : i32
    %add3A_126 = arith.addi %mul3A_2, %add3A_125 : i32
    %dma_start3A_127 = arith.constant 1 : i32
    %dma_start3A_128 = arith.constant 1 : i32
    %dma_start3A_129 = arith.constant 0 : i32
    %dma_start3A_130 = arith.constant 0 : i32
    %dma_start3A_131 = tpu.memref_slice %arg10[%dma_start3A_127, %dma_start3A_129, %dma_start3A_130] : memref<2x3x80xi32, #tpu.memory_space<vmem>> -> memref<1x3x80xi32, #tpu.memory_space<vmem>>
    %dma_start3A_132 = tpu.memref_squeeze %dma_start3A_131 : memref<1x3x80xi32, #tpu.memory_space<vmem>> -> memref<3x80xi32, #tpu.memory_space<vmem>>
    %dma_start3A_133 = arith.constant 0 : i32
    %dma_start3A_134 = tpu.memref_slice %arg3[%add3A_126, %dma_start3A_133] : memref<4032x80xi32, #tpu.memory_space<hbm>> -> memref<3x80xi32, #tpu.memory_space<hbm>>
    %dma_start3A_135 = tpu.memref_slice %arg21[%dma_start3A_128] : memref<2x!tpu.dma_semaphore, #tpu.memory_space<semaphore_mem>> -> memref<1x!tpu.dma_semaphore, #tpu.memory_space<semaphore_mem>>
    %dma_start3A_136 = tpu.memref_squeeze %dma_start3A_135 : memref<1x!tpu.dma_semaphore, #tpu.memory_space<semaphore_mem>> -> memref<!tpu.dma_semaphore, #tpu.memory_space<semaphore_mem>>
    %dma_start3A_137 = arith.constant 0 : i32
    %dma_start3A_138 = arith.constant 0 : i32
    %dma_start3A_139 = tpu.memref_slice %arg10[%dma_start3A_127, %dma_start3A_137, %dma_start3A_138] : memref<2x3x80xi32, #tpu.memory_space<vmem>> -> memref<1x3x80xi32, #tpu.memory_space<vmem>>
    %dma_start3A_140 = tpu.memref_squeeze %dma_start3A_139 : memref<1x3x80xi32, #tpu.memory_space<vmem>> -> memref<3x80xi32, #tpu.memory_space<vmem>>
    %dma_start3A_141 = arith.constant 0 : i32
    %dma_start3A_142 = tpu.memref_slice %arg3[%add3A_126, %dma_start3A_141] : memref<4032x80xi32, #tpu.memory_space<hbm>> -> memref<3x80xi32, #tpu.memory_space<hbm>>
    tpu.enqueue_dma source(%dma_start3A_142 : memref<3x80xi32, #tpu.memory_space<hbm>>) target(%dma_start3A_140 : memref<3x80xi32, #tpu.memory_space<vmem>>) target_semaphore(%dma_start3A_136 : memref<!tpu.dma_semaphore, #tpu.memory_space<semaphore_mem>>)
    %add3A_143 = arith.constant 3 : i32
    %add3A_144 = arith.addi %mul3A_2, %add3A_143 : i32
    %dma_start3A_145 = arith.constant 1 : i32
    %dma_start3A_146 = arith.constant 1 : i32
    %dma_start3A_147 = arith.constant 0 : i32
    %dma_start3A_148 = arith.constant 0 : i32
    %dma_start3A_149 = tpu.memref_slice %arg11[%dma_start3A_145, %dma_start3A_147, %dma_start3A_148] : memref<2x3x80xi32, #tpu.memory_space<vmem>> -> memref<1x3x80xi32, #tpu.memory_space<vmem>>
    %dma_start3A_150 = tpu.memref_squeeze %dma_start3A_149 : memref<1x3x80xi32, #tpu.memory_space<vmem>> -> memref<3x80xi32, #tpu.memory_space<vmem>>
    %dma_start3A_151 = arith.constant 0 : i32
    %dma_start3A_152 = tpu.memref_slice %arg4[%add3A_144, %dma_start3A_151] : memref<4032x80xi32, #tpu.memory_space<hbm>> -> memref<3x80xi32, #tpu.memory_space<hbm>>
    %dma_start3A_153 = tpu.memref_slice %arg21[%dma_start3A_146] : memref<2x!tpu.dma_semaphore, #tpu.memory_space<semaphore_mem>> -> memref<1x!tpu.dma_semaphore, #tpu.memory_space<semaphore_mem>>
    %dma_start3A_154 = tpu.memref_squeeze %dma_start3A_153 : memref<1x!tpu.dma_semaphore, #tpu.memory_space<semaphore_mem>> -> memref<!tpu.dma_semaphore, #tpu.memory_space<semaphore_mem>>
    %dma_start3A_155 = arith.constant 0 : i32
    %dma_start3A_156 = arith.constant 0 : i32
    %dma_start3A_157 = tpu.memref_slice %arg11[%dma_start3A_145, %dma_start3A_155, %dma_start3A_156] : memref<2x3x80xi32, #tpu.memory_space<vmem>> -> memref<1x3x80xi32, #tpu.memory_space<vmem>>
    %dma_start3A_158 = tpu.memref_squeeze %dma_start3A_157 : memref<1x3x80xi32, #tpu.memory_space<vmem>> -> memref<3x80xi32, #tpu.memory_space<vmem>>
    %dma_start3A_159 = arith.constant 0 : i32
    %dma_start3A_160 = tpu.memref_slice %arg4[%add3A_144, %dma_start3A_159] : memref<4032x80xi32, #tpu.memory_space<hbm>> -> memref<3x80xi32, #tpu.memory_space<hbm>>
    tpu.enqueue_dma source(%dma_start3A_160 : memref<3x80xi32, #tpu.memory_space<hbm>>) target(%dma_start3A_158 : memref<3x80xi32, #tpu.memory_space<vmem>>) target_semaphore(%dma_start3A_154 : memref<!tpu.dma_semaphore, #tpu.memory_space<semaphore_mem>>)
    %barrier3A = arith.constant 0 : index
    tpu.barrier barrier_id(%barrier3A)
    %scan3A = arith.constant 0 : i32
    %scan3A_161 = arith.constant 0 : i32
    %scan3A_162 = arith.constant 42 : i32
    %scan3A_163 = arith.addi %scan3A_161, %scan3A_162 : i32
    %scan3A_164 = arith.constant 1 : i32
    scf.for %scan3A_572 = %scan3A_161 to %scan3A_163 step %scan3A_164  : i32 {
      %rem3A = arith.constant 2 : i32
      %rem3A_573 = arith.remsi %scan3A_572, %rem3A : i32
      %dma_wait3A_574 = arith.constant 0 : i32
      %dma_wait3A_575 = arith.constant 0 : i32
      %dma_wait3A_576 = arith.constant 0 : i32
      %dma_wait3A_577 = arith.constant 0 : i32
      %dma_wait3A_578 = arith.constant 0 : i32
      %dma_wait3A_579 = tpu.memref_slice %arg12[%dma_wait3A_575, %dma_wait3A_577, %dma_wait3A_578] : memref<3x80x128xf32, #tpu.memory_space<vmem>> -> memref<1x80x128xf32, #tpu.memory_space<vmem>>
      %dma_wait3A_580 = tpu.memref_squeeze %dma_wait3A_579 : memref<1x80x128xf32, #tpu.memory_space<vmem>> -> memref<80x128xf32, #tpu.memory_space<vmem>>
      %dma_wait3A_581 = arith.constant 0 : i32
      %dma_wait3A_582 = tpu.memref_slice %arg10[%rem3A_573, %dma_wait3A_574, %dma_wait3A_581] : memref<2x3x80xi32, #tpu.memory_space<vmem>> -> memref<1x1x80xi32, #tpu.memory_space<vmem>>
      %dma_wait3A_583 = tpu.memref_squeeze %dma_wait3A_582 : memref<1x1x80xi32, #tpu.memory_space<vmem>> -> memref<80xi32, #tpu.memory_space<vmem>>
      %dma_wait3A_584 = arith.constant 0 : i32
      %dma_wait3A_585 = arith.constant 0 : i32
      %dma_wait3A_586 = tpu.memref_slice %arg2[%dma_wait3A_584, %dma_wait3A_585] : memref<10000x128xf32, #tpu.memory_space<hbm>> -> memref<10000x128xf32, #tpu.memory_space<hbm>>
      %dma_wait3A_587 = tpu.memref_slice %arg18[%dma_wait3A_576] : memref<3x!tpu.dma_semaphore, #tpu.memory_space<semaphore_mem>> -> memref<1x!tpu.dma_semaphore, #tpu.memory_space<semaphore_mem>>
      %dma_wait3A_588 = tpu.memref_squeeze %dma_wait3A_587 : memref<1x!tpu.dma_semaphore, #tpu.memory_space<semaphore_mem>> -> memref<!tpu.dma_semaphore, #tpu.memory_space<semaphore_mem>>
      tpu.wait_indirect_dma semaphore(%dma_wait3A_588 : memref<!tpu.dma_semaphore, #tpu.memory_space<semaphore_mem>>) src(%dma_wait3A_586 : memref<10000x128xf32, #tpu.memory_space<hbm>>) dst(%dma_wait3A_580 : memref<80x128xf32, #tpu.memory_space<vmem>>)
      %dma_start3A_589 = arith.constant 0 : i32
      %dma_start3A_590 = arith.constant 0 : i32
      %dma_start3A_591 = arith.constant 0 : i32
      %dma_start3A_592 = arith.constant 0 : i32
      %dma_start3A_593 = arith.constant 0 : i32
      %dma_start3A_594 = tpu.memref_slice %arg12[%dma_start3A_589, %dma_start3A_592, %dma_start3A_593] : memref<3x80x128xf32, #tpu.memory_space<vmem>> -> memref<1x80x128xf32, #tpu.memory_space<vmem>>
      %dma_start3A_595 = tpu.memref_squeeze %dma_start3A_594 : memref<1x80x128xf32, #tpu.memory_space<vmem>> -> memref<80x128xf32, #tpu.memory_space<vmem>>
      %dma_start3A_596 = arith.constant 0 : i32
      %dma_start3A_597 = tpu.memref_slice %arg11[%rem3A_573, %dma_start3A_590, %dma_start3A_596] : memref<2x3x80xi32, #tpu.memory_space<vmem>> -> memref<1x1x80xi32, #tpu.memory_space<vmem>>
      %dma_start3A_598 = tpu.memref_squeeze %dma_start3A_597 : memref<1x1x80xi32, #tpu.memory_space<vmem>> -> memref<80xi32, #tpu.memory_space<vmem>>
      %dma_start3A_599 = arith.constant 0 : i32
      %dma_start3A_600 = arith.constant 0 : i32
      %dma_start3A_601 = tpu.memref_slice %arg16[%dma_start3A_599, %dma_start3A_600] : memref<10240x128xf32, #tpu.memory_space<vmem_shared>> -> memref<10240x128xf32, #tpu.memory_space<vmem_shared>>
      %dma_start3A_602 = tpu.memref_slice %arg19[%dma_start3A_591] : memref<3x!tpu.dma_semaphore, #tpu.memory_space<semaphore_mem>> -> memref<1x!tpu.dma_semaphore, #tpu.memory_space<semaphore_mem>>
      %dma_start3A_603 = tpu.memref_squeeze %dma_start3A_602 : memref<1x!tpu.dma_semaphore, #tpu.memory_space<semaphore_mem>> -> memref<!tpu.dma_semaphore, #tpu.memory_space<semaphore_mem>>
      tpu.enqueue_indirect_dma source(%dma_start3A_595 : memref<80x128xf32, #tpu.memory_space<vmem>>) target(%dma_start3A_601 : memref<10240x128xf32, #tpu.memory_space<vmem_shared>>) offsets(%dma_start3A_598 : memref<80xi32, #tpu.memory_space<vmem>>) semaphore(%dma_start3A_603 : memref<!tpu.dma_semaphore, #tpu.memory_space<semaphore_mem>>) {add = true}
      %dma_start3A_604 = arith.constant 0 : i32
      %dma_start3A_605 = arith.constant 0 : i32
      %dma_start3A_606 = tpu.memref_slice %arg11[%rem3A_573, %dma_start3A_604, %dma_start3A_605] : memref<2x3x80xi32, #tpu.memory_space<vmem>> -> memref<1x1x80xi32, #tpu.memory_space<vmem>>
      %dma_start3A_607 = tpu.memref_squeeze %dma_start3A_606 : memref<1x1x80xi32, #tpu.memory_space<vmem>> -> memref<80xi32, #tpu.memory_space<vmem>>
      %dma_start3A_608 = arith.constant 0 : i32
      %dma_start3A_609 = arith.constant 0 : i32
      %dma_start3A_610 = tpu.memref_slice %arg17[%dma_start3A_608, %dma_start3A_609] : memref<10240x16xf32, #tpu.memory_space<vmem_shared>> -> memref<10240x16xf32, #tpu.memory_space<vmem_shared>>
      tpu.enqueue_indirect_dma source(%arg13 : memref<80x16xf32, #tpu.memory_space<vmem>>) target(%dma_start3A_610 : memref<10240x16xf32, #tpu.memory_space<vmem_shared>>) offsets(%dma_start3A_607 : memref<80xi32, #tpu.memory_space<vmem>>) semaphore(%arg20 : memref<!tpu.dma_semaphore, #tpu.memory_space<semaphore_mem>>) {add = true}
      %add3A_611 = arith.constant 1 : i32
      %add3A_612 = arith.addi %scan3A_572, %add3A_611 : i32
      %lt3A = arith.constant 42 : i32
      %lt3A_613 = arith.cmpi slt, %add3A_612, %lt3A : i32
      %convert_element_type3A = arith.extui %lt3A_613 : i1 to i32
      %cond3A = arith.constant 0 : i32
      %cond3A_614 = arith.cmpi ne, %convert_element_type3A, %cond3A : i32
      scf.if %cond3A_614 {
        %sub3A = arith.constant 1 : i32
        %sub3A_734 = arith.subi %sub3A, %rem3A_573 : i32
        %dma_wait3A_735 = arith.constant 0 : i32
        %dma_wait3A_736 = arith.constant 0 : i32
        %dma_wait3A_737 = tpu.memref_slice %arg10[%sub3A_734, %dma_wait3A_735, %dma_wait3A_736] : memref<2x3x80xi32, #tpu.memory_space<vmem>> -> memref<1x3x80xi32, #tpu.memory_space<vmem>>
        %dma_wait3A_738 = tpu.memref_squeeze %dma_wait3A_737 : memref<1x3x80xi32, #tpu.memory_space<vmem>> -> memref<3x80xi32, #tpu.memory_space<vmem>>
        %dma_wait3A_739 = arith.constant 0 : i32
        %dma_wait3A_740 = tpu.memref_slice %arg3[%mul3A_2, %dma_wait3A_739] : memref<4032x80xi32, #tpu.memory_space<hbm>> -> memref<3x80xi32, #tpu.memory_space<hbm>>
        %dma_wait3A_741 = tpu.memref_slice %arg21[%sub3A_734] : memref<2x!tpu.dma_semaphore, #tpu.memory_space<semaphore_mem>> -> memref<1x!tpu.dma_semaphore, #tpu.memory_space<semaphore_mem>>
        %dma_wait3A_742 = tpu.memref_squeeze %dma_wait3A_741 : memref<1x!tpu.dma_semaphore, #tpu.memory_space<semaphore_mem>> -> memref<!tpu.dma_semaphore, #tpu.memory_space<semaphore_mem>>
        %dma_wait3A_743 = arith.constant 0 : i32
        %dma_wait3A_744 = arith.constant 0 : i32
        %dma_wait3A_745 = tpu.memref_slice %arg10[%sub3A_734, %dma_wait3A_743, %dma_wait3A_744] : memref<2x3x80xi32, #tpu.memory_space<vmem>> -> memref<1x3x80xi32, #tpu.memory_space<vmem>>
        %dma_wait3A_746 = tpu.memref_squeeze %dma_wait3A_745 : memref<1x3x80xi32, #tpu.memory_space<vmem>> -> memref<3x80xi32, #tpu.memory_space<vmem>>
        %dma_wait3A_747 = arith.constant 0 : i32
        %dma_wait3A_748 = tpu.memref_slice %arg3[%mul3A_2, %dma_wait3A_747] : memref<4032x80xi32, #tpu.memory_space<hbm>> -> memref<3x80xi32, #tpu.memory_space<hbm>>
        tpu.wait_dma2 semaphore(%dma_wait3A_742 : memref<!tpu.dma_semaphore, #tpu.memory_space<semaphore_mem>>) src(%dma_wait3A_748 : memref<3x80xi32, #tpu.memory_space<hbm>>) dst(%dma_wait3A_746 : memref<3x80xi32, #tpu.memory_space<vmem>>)
        %dma_wait3A_749 = arith.constant 0 : i32
        %dma_wait3A_750 = arith.constant 0 : i32
        %dma_wait3A_751 = tpu.memref_slice %arg11[%sub3A_734, %dma_wait3A_749, %dma_wait3A_750] : memref<2x3x80xi32, #tpu.memory_space<vmem>> -> memref<1x3x80xi32, #tpu.memory_space<vmem>>
        %dma_wait3A_752 = tpu.memref_squeeze %dma_wait3A_751 : memref<1x3x80xi32, #tpu.memory_space<vmem>> -> memref<3x80xi32, #tpu.memory_space<vmem>>
        %dma_wait3A_753 = arith.constant 0 : i32
        %dma_wait3A_754 = tpu.memref_slice %arg4[%mul3A_2, %dma_wait3A_753] : memref<4032x80xi32, #tpu.memory_space<hbm>> -> memref<3x80xi32, #tpu.memory_space<hbm>>
        %dma_wait3A_755 = tpu.memref_slice %arg21[%sub3A_734] : memref<2x!tpu.dma_semaphore, #tpu.memory_space<semaphore_mem>> -> memref<1x!tpu.dma_semaphore, #tpu.memory_space<semaphore_mem>>
        %dma_wait3A_756 = tpu.memref_squeeze %dma_wait3A_755 : memref<1x!tpu.dma_semaphore, #tpu.memory_space<semaphore_mem>> -> memref<!tpu.dma_semaphore, #tpu.memory_space<semaphore_mem>>
        %dma_wait3A_757 = arith.constant 0 : i32
        %dma_wait3A_758 = arith.constant 0 : i32
        %dma_wait3A_759 = tpu.memref_slice %arg11[%sub3A_734, %dma_wait3A_757, %dma_wait3A_758] : memref<2x3x80xi32, #tpu.memory_space<vmem>> -> memref<1x3x80xi32, #tpu.memory_space<vmem>>
        %dma_wait3A_760 = tpu.memref_squeeze %dma_wait3A_759 : memref<1x3x80xi32, #tpu.memory_space<vmem>> -> memref<3x80xi32, #tpu.memory_space<vmem>>
        %dma_wait3A_761 = arith.constant 0 : i32
        %dma_wait3A_762 = tpu.memref_slice %arg4[%mul3A_2, %dma_wait3A_761] : memref<4032x80xi32, #tpu.memory_space<hbm>> -> memref<3x80xi32, #tpu.memory_space<hbm>>
        tpu.wait_dma2 semaphore(%dma_wait3A_756 : memref<!tpu.dma_semaphore, #tpu.memory_space<semaphore_mem>>) src(%dma_wait3A_762 : memref<3x80xi32, #tpu.memory_space<hbm>>) dst(%dma_wait3A_760 : memref<3x80xi32, #tpu.memory_space<vmem>>)
        %dma_wait3A_763 = arith.constant 0 : i32
        %dma_wait3A_764 = arith.constant 0 : i32
        %dma_wait3A_765 = arith.constant 0 : i32
        %dma_wait3A_766 = arith.constant 0 : i32
        %dma_wait3A_767 = arith.constant 0 : i32
        %dma_wait3A_768 = tpu.memref_slice %arg12[%dma_wait3A_763, %dma_wait3A_766, %dma_wait3A_767] : memref<3x80x128xf32, #tpu.memory_space<vmem>> -> memref<1x80x128xf32, #tpu.memory_space<vmem>>
        %dma_wait3A_769 = tpu.memref_squeeze %dma_wait3A_768 : memref<1x80x128xf32, #tpu.memory_space<vmem>> -> memref<80x128xf32, #tpu.memory_space<vmem>>
        %dma_wait3A_770 = arith.constant 0 : i32
        %dma_wait3A_771 = tpu.memref_slice %arg11[%rem3A_573, %dma_wait3A_764, %dma_wait3A_770] : memref<2x3x80xi32, #tpu.memory_space<vmem>> -> memref<1x1x80xi32, #tpu.memory_space<vmem>>
        %dma_wait3A_772 = tpu.memref_squeeze %dma_wait3A_771 : memref<1x1x80xi32, #tpu.memory_space<vmem>> -> memref<80xi32, #tpu.memory_space<vmem>>
        %dma_wait3A_773 = arith.constant 0 : i32
        %dma_wait3A_774 = arith.constant 0 : i32
        %dma_wait3A_775 = tpu.memref_slice %arg16[%dma_wait3A_773, %dma_wait3A_774] : memref<10240x128xf32, #tpu.memory_space<vmem_shared>> -> memref<10240x128xf32, #tpu.memory_space<vmem_shared>>
        %dma_wait3A_776 = tpu.memref_slice %arg19[%dma_wait3A_765] : memref<3x!tpu.dma_semaphore, #tpu.memory_space<semaphore_mem>> -> memref<1x!tpu.dma_semaphore, #tpu.memory_space<semaphore_mem>>
        %dma_wait3A_777 = tpu.memref_squeeze %dma_wait3A_776 : memref<1x!tpu.dma_semaphore, #tpu.memory_space<semaphore_mem>> -> memref<!tpu.dma_semaphore, #tpu.memory_space<semaphore_mem>>
        tpu.wait_indirect_dma semaphore(%dma_wait3A_777 : memref<!tpu.dma_semaphore, #tpu.memory_space<semaphore_mem>>) src(%dma_wait3A_769 : memref<80x128xf32, #tpu.memory_space<vmem>>) dst(%dma_wait3A_775 : memref<10240x128xf32, #tpu.memory_space<vmem_shared>>)
        %sub3A_778 = arith.constant 1 : i32
        %sub3A_779 = arith.subi %sub3A_778, %rem3A_573 : i32
        %dma_start3A_780 = arith.constant 0 : i32
        %dma_start3A_781 = arith.constant 0 : i32
        %dma_start3A_782 = arith.constant 0 : i32
        %dma_start3A_783 = arith.constant 0 : i32
        %dma_start3A_784 = arith.constant 0 : i32
        %dma_start3A_785 = tpu.memref_slice %arg12[%dma_start3A_781, %dma_start3A_783, %dma_start3A_784] : memref<3x80x128xf32, #tpu.memory_space<vmem>> -> memref<1x80x128xf32, #tpu.memory_space<vmem>>
        %dma_start3A_786 = tpu.memref_squeeze %dma_start3A_785 : memref<1x80x128xf32, #tpu.memory_space<vmem>> -> memref<80x128xf32, #tpu.memory_space<vmem>>
        %dma_start3A_787 = arith.constant 0 : i32
        %dma_start3A_788 = tpu.memref_slice %arg10[%sub3A_779, %dma_start3A_780, %dma_start3A_787] : memref<2x3x80xi32, #tpu.memory_space<vmem>> -> memref<1x1x80xi32, #tpu.memory_space<vmem>>
        %dma_start3A_789 = tpu.memref_squeeze %dma_start3A_788 : memref<1x1x80xi32, #tpu.memory_space<vmem>> -> memref<80xi32, #tpu.memory_space<vmem>>
        %dma_start3A_790 = arith.constant 0 : i32
        %dma_start3A_791 = arith.constant 0 : i32
        %dma_start3A_792 = tpu.memref_slice %arg2[%dma_start3A_790, %dma_start3A_791] : memref<10000x128xf32, #tpu.memory_space<hbm>> -> memref<10000x128xf32, #tpu.memory_space<hbm>>
        %dma_start3A_793 = tpu.memref_slice %arg18[%dma_start3A_782] : memref<3x!tpu.dma_semaphore, #tpu.memory_space<semaphore_mem>> -> memref<1x!tpu.dma_semaphore, #tpu.memory_space<semaphore_mem>>
        %dma_start3A_794 = tpu.memref_squeeze %dma_start3A_793 : memref<1x!tpu.dma_semaphore, #tpu.memory_space<semaphore_mem>> -> memref<!tpu.dma_semaphore, #tpu.memory_space<semaphore_mem>>
        tpu.enqueue_indirect_dma source(%dma_start3A_792 : memref<10000x128xf32, #tpu.memory_space<hbm>>) target(%dma_start3A_786 : memref<80x128xf32, #tpu.memory_space<vmem>>) offsets(%dma_start3A_789 : memref<80xi32, #tpu.memory_space<vmem>>) semaphore(%dma_start3A_794 : memref<!tpu.dma_semaphore, #tpu.memory_space<semaphore_mem>>)
      } else {
      }
      %dma_wait3A_615 = arith.constant 1 : i32
      %dma_wait3A_616 = arith.constant 1 : i32
      %dma_wait3A_617 = arith.constant 1 : i32
      %dma_wait3A_618 = arith.constant 0 : i32
      %dma_wait3A_619 = arith.constant 0 : i32
      %dma_wait3A_620 = tpu.memref_slice %arg12[%dma_wait3A_616, %dma_wait3A_618, %dma_wait3A_619] : memref<3x80x128xf32, #tpu.memory_space<vmem>> -> memref<1x80x128xf32, #tpu.memory_space<vmem>>
      %dma_wait3A_621 = tpu.memref_squeeze %dma_wait3A_620 : memref<1x80x128xf32, #tpu.memory_space<vmem>> -> memref<80x128xf32, #tpu.memory_space<vmem>>
      %dma_wait3A_622 = arith.constant 0 : i32
      %dma_wait3A_623 = tpu.memref_slice %arg10[%rem3A_573, %dma_wait3A_615, %dma_wait3A_622] : memref<2x3x80xi32, #tpu.memory_space<vmem>> -> memref<1x1x80xi32, #tpu.memory_space<vmem>>
      %dma_wait3A_624 = tpu.memref_squeeze %dma_wait3A_623 : memref<1x1x80xi32, #tpu.memory_space<vmem>> -> memref<80xi32, #tpu.memory_space<vmem>>
      %dma_wait3A_625 = arith.constant 0 : i32
      %dma_wait3A_626 = arith.constant 0 : i32
      %dma_wait3A_627 = tpu.memref_slice %arg2[%dma_wait3A_625, %dma_wait3A_626] : memref<10000x128xf32, #tpu.memory_space<hbm>> -> memref<10000x128xf32, #tpu.memory_space<hbm>>
      %dma_wait3A_628 = tpu.memref_slice %arg18[%dma_wait3A_617] : memref<3x!tpu.dma_semaphore, #tpu.memory_space<semaphore_mem>> -> memref<1x!tpu.dma_semaphore, #tpu.memory_space<semaphore_mem>>
      %dma_wait3A_629 = tpu.memref_squeeze %dma_wait3A_628 : memref<1x!tpu.dma_semaphore, #tpu.memory_space<semaphore_mem>> -> memref<!tpu.dma_semaphore, #tpu.memory_space<semaphore_mem>>
      tpu.wait_indirect_dma semaphore(%dma_wait3A_629 : memref<!tpu.dma_semaphore, #tpu.memory_space<semaphore_mem>>) src(%dma_wait3A_627 : memref<10000x128xf32, #tpu.memory_space<hbm>>) dst(%dma_wait3A_621 : memref<80x128xf32, #tpu.memory_space<vmem>>)
      %dma_start3A_630 = arith.constant 1 : i32
      %dma_start3A_631 = arith.constant 1 : i32
      %dma_start3A_632 = arith.constant 1 : i32
      %dma_start3A_633 = arith.constant 0 : i32
      %dma_start3A_634 = arith.constant 0 : i32
      %dma_start3A_635 = tpu.memref_slice %arg12[%dma_start3A_630, %dma_start3A_633, %dma_start3A_634] : memref<3x80x128xf32, #tpu.memory_space<vmem>> -> memref<1x80x128xf32, #tpu.memory_space<vmem>>
      %dma_start3A_636 = tpu.memref_squeeze %dma_start3A_635 : memref<1x80x128xf32, #tpu.memory_space<vmem>> -> memref<80x128xf32, #tpu.memory_space<vmem>>
      %dma_start3A_637 = arith.constant 0 : i32
      %dma_start3A_638 = tpu.memref_slice %arg11[%rem3A_573, %dma_start3A_631, %dma_start3A_637] : memref<2x3x80xi32, #tpu.memory_space<vmem>> -> memref<1x1x80xi32, #tpu.memory_space<vmem>>
      %dma_start3A_639 = tpu.memref_squeeze %dma_start3A_638 : memref<1x1x80xi32, #tpu.memory_space<vmem>> -> memref<80xi32, #tpu.memory_space<vmem>>
      %dma_start3A_640 = arith.constant 0 : i32
      %dma_start3A_641 = arith.constant 0 : i32
      %dma_start3A_642 = tpu.memref_slice %arg16[%dma_start3A_640, %dma_start3A_641] : memref<10240x128xf32, #tpu.memory_space<vmem_shared>> -> memref<10240x128xf32, #tpu.memory_space<vmem_shared>>
      %dma_start3A_643 = tpu.memref_slice %arg19[%dma_start3A_632] : memref<3x!tpu.dma_semaphore, #tpu.memory_space<semaphore_mem>> -> memref<1x!tpu.dma_semaphore, #tpu.memory_space<semaphore_mem>>
      %dma_start3A_644 = tpu.memref_squeeze %dma_start3A_643 : memref<1x!tpu.dma_semaphore, #tpu.memory_space<semaphore_mem>> -> memref<!tpu.dma_semaphore, #tpu.memory_space<semaphore_mem>>
      tpu.enqueue_indirect_dma source(%dma_start3A_636 : memref<80x128xf32, #tpu.memory_space<vmem>>) target(%dma_start3A_642 : memref<10240x128xf32, #tpu.memory_space<vmem_shared>>) offsets(%dma_start3A_639 : memref<80xi32, #tpu.memory_space<vmem>>) semaphore(%dma_start3A_644 : memref<!tpu.dma_semaphore, #tpu.memory_space<semaphore_mem>>) {add = true}
      %dma_start3A_645 = arith.constant 1 : i32
      %dma_start3A_646 = arith.constant 0 : i32
      %dma_start3A_647 = tpu.memref_slice %arg11[%rem3A_573, %dma_start3A_645, %dma_start3A_646] : memref<2x3x80xi32, #tpu.memory_space<vmem>> -> memref<1x1x80xi32, #tpu.memory_space<vmem>>
      %dma_start3A_648 = tpu.memref_squeeze %dma_start3A_647 : memref<1x1x80xi32, #tpu.memory_space<vmem>> -> memref<80xi32, #tpu.memory_space<vmem>>
      %dma_start3A_649 = arith.constant 0 : i32
      %dma_start3A_650 = arith.constant 0 : i32
      %dma_start3A_651 = tpu.memref_slice %arg17[%dma_start3A_649, %dma_start3A_650] : memref<10240x16xf32, #tpu.memory_space<vmem_shared>> -> memref<10240x16xf32, #tpu.memory_space<vmem_shared>>
      tpu.enqueue_indirect_dma source(%arg13 : memref<80x16xf32, #tpu.memory_space<vmem>>) target(%dma_start3A_651 : memref<10240x16xf32, #tpu.memory_space<vmem_shared>>) offsets(%dma_start3A_648 : memref<80xi32, #tpu.memory_space<vmem>>) semaphore(%arg20 : memref<!tpu.dma_semaphore, #tpu.memory_space<semaphore_mem>>) {add = true}
      %add3A_652 = arith.constant 1 : i32
      %add3A_653 = arith.addi %scan3A_572, %add3A_652 : i32
      %lt3A_654 = arith.constant 42 : i32
      %lt3A_655 = arith.cmpi slt, %add3A_653, %lt3A_654 : i32
      %convert_element_type3A_656 = arith.extui %lt3A_655 : i1 to i32
      %cond3A_657 = arith.constant 0 : i32
      %cond3A_658 = arith.cmpi ne, %convert_element_type3A_656, %cond3A_657 : i32
      scf.if %cond3A_658 {
        %dma_wait3A_734 = arith.constant 1 : i32
        %dma_wait3A_735 = arith.constant 1 : i32
        %dma_wait3A_736 = arith.constant 1 : i32
        %dma_wait3A_737 = arith.constant 0 : i32
        %dma_wait3A_738 = arith.constant 0 : i32
        %dma_wait3A_739 = tpu.memref_slice %arg12[%dma_wait3A_734, %dma_wait3A_737, %dma_wait3A_738] : memref<3x80x128xf32, #tpu.memory_space<vmem>> -> memref<1x80x128xf32, #tpu.memory_space<vmem>>
        %dma_wait3A_740 = tpu.memref_squeeze %dma_wait3A_739 : memref<1x80x128xf32, #tpu.memory_space<vmem>> -> memref<80x128xf32, #tpu.memory_space<vmem>>
        %dma_wait3A_741 = arith.constant 0 : i32
        %dma_wait3A_742 = tpu.memref_slice %arg11[%rem3A_573, %dma_wait3A_735, %dma_wait3A_741] : memref<2x3x80xi32, #tpu.memory_space<vmem>> -> memref<1x1x80xi32, #tpu.memory_space<vmem>>
        %dma_wait3A_743 = tpu.memref_squeeze %dma_wait3A_742 : memref<1x1x80xi32, #tpu.memory_space<vmem>> -> memref<80xi32, #tpu.memory_space<vmem>>
        %dma_wait3A_744 = arith.constant 0 : i32
        %dma_wait3A_745 = arith.constant 0 : i32
        %dma_wait3A_746 = tpu.memref_slice %arg16[%dma_wait3A_744, %dma_wait3A_745] : memref<10240x128xf32, #tpu.memory_space<vmem_shared>> -> memref<10240x128xf32, #tpu.memory_space<vmem_shared>>
        %dma_wait3A_747 = tpu.memref_slice %arg19[%dma_wait3A_736] : memref<3x!tpu.dma_semaphore, #tpu.memory_space<semaphore_mem>> -> memref<1x!tpu.dma_semaphore, #tpu.memory_space<semaphore_mem>>
        %dma_wait3A_748 = tpu.memref_squeeze %dma_wait3A_747 : memref<1x!tpu.dma_semaphore, #tpu.memory_space<semaphore_mem>> -> memref<!tpu.dma_semaphore, #tpu.memory_space<semaphore_mem>>
        tpu.wait_indirect_dma semaphore(%dma_wait3A_748 : memref<!tpu.dma_semaphore, #tpu.memory_space<semaphore_mem>>) src(%dma_wait3A_740 : memref<80x128xf32, #tpu.memory_space<vmem>>) dst(%dma_wait3A_746 : memref<10240x128xf32, #tpu.memory_space<vmem_shared>>)
        %sub3A = arith.constant 1 : i32
        %sub3A_749 = arith.subi %sub3A, %rem3A_573 : i32
        %dma_start3A_750 = arith.constant 1 : i32
        %dma_start3A_751 = arith.constant 1 : i32
        %dma_start3A_752 = arith.constant 1 : i32
        %dma_start3A_753 = arith.constant 0 : i32
        %dma_start3A_754 = arith.constant 0 : i32
        %dma_start3A_755 = tpu.memref_slice %arg12[%dma_start3A_751, %dma_start3A_753, %dma_start3A_754] : memref<3x80x128xf32, #tpu.memory_space<vmem>> -> memref<1x80x128xf32, #tpu.memory_space<vmem>>
        %dma_start3A_756 = tpu.memref_squeeze %dma_start3A_755 : memref<1x80x128xf32, #tpu.memory_space<vmem>> -> memref<80x128xf32, #tpu.memory_space<vmem>>
        %dma_start3A_757 = arith.constant 0 : i32
        %dma_start3A_758 = tpu.memref_slice %arg10[%sub3A_749, %dma_start3A_750, %dma_start3A_757] : memref<2x3x80xi32, #tpu.memory_space<vmem>> -> memref<1x1x80xi32, #tpu.memory_space<vmem>>
        %dma_start3A_759 = tpu.memref_squeeze %dma_start3A_758 : memref<1x1x80xi32, #tpu.memory_space<vmem>> -> memref<80xi32, #tpu.memory_space<vmem>>
        %dma_start3A_760 = arith.constant 0 : i32
        %dma_start3A_761 = arith.constant 0 : i32
        %dma_start3A_762 = tpu.memref_slice %arg2[%dma_start3A_760, %dma_start3A_761] : memref<10000x128xf32, #tpu.memory_space<hbm>> -> memref<10000x128xf32, #tpu.memory_space<hbm>>
        %dma_start3A_763 = tpu.memref_slice %arg18[%dma_start3A_752] : memref<3x!tpu.dma_semaphore, #tpu.memory_space<semaphore_mem>> -> memref<1x!tpu.dma_semaphore, #tpu.memory_space<semaphore_mem>>
        %dma_start3A_764 = tpu.memref_squeeze %dma_start3A_763 : memref<1x!tpu.dma_semaphore, #tpu.memory_space<semaphore_mem>> -> memref<!tpu.dma_semaphore, #tpu.memory_space<semaphore_mem>>
        tpu.enqueue_indirect_dma source(%dma_start3A_762 : memref<10000x128xf32, #tpu.memory_space<hbm>>) target(%dma_start3A_756 : memref<80x128xf32, #tpu.memory_space<vmem>>) offsets(%dma_start3A_759 : memref<80xi32, #tpu.memory_space<vmem>>) semaphore(%dma_start3A_764 : memref<!tpu.dma_semaphore, #tpu.memory_space<semaphore_mem>>)
      } else {
      }
      %dma_wait3A_659 = arith.constant 2 : i32
      %dma_wait3A_660 = arith.constant 2 : i32
      %dma_wait3A_661 = arith.constant 2 : i32
      %dma_wait3A_662 = arith.constant 0 : i32
      %dma_wait3A_663 = arith.constant 0 : i32
      %dma_wait3A_664 = tpu.memref_slice %arg12[%dma_wait3A_660, %dma_wait3A_662, %dma_wait3A_663] : memref<3x80x128xf32, #tpu.memory_space<vmem>> -> memref<1x80x128xf32, #tpu.memory_space<vmem>>
      %dma_wait3A_665 = tpu.memref_squeeze %dma_wait3A_664 : memref<1x80x128xf32, #tpu.memory_space<vmem>> -> memref<80x128xf32, #tpu.memory_space<vmem>>
      %dma_wait3A_666 = arith.constant 0 : i32
      %dma_wait3A_667 = tpu.memref_slice %arg10[%rem3A_573, %dma_wait3A_659, %dma_wait3A_666] : memref<2x3x80xi32, #tpu.memory_space<vmem>> -> memref<1x1x80xi32, #tpu.memory_space<vmem>>
      %dma_wait3A_668 = tpu.memref_squeeze %dma_wait3A_667 : memref<1x1x80xi32, #tpu.memory_space<vmem>> -> memref<80xi32, #tpu.memory_space<vmem>>
      %dma_wait3A_669 = arith.constant 0 : i32
      %dma_wait3A_670 = arith.constant 0 : i32
      %dma_wait3A_671 = tpu.memref_slice %arg2[%dma_wait3A_669, %dma_wait3A_670] : memref<10000x128xf32, #tpu.memory_space<hbm>> -> memref<10000x128xf32, #tpu.memory_space<hbm>>
      %dma_wait3A_672 = tpu.memref_slice %arg18[%dma_wait3A_661] : memref<3x!tpu.dma_semaphore, #tpu.memory_space<semaphore_mem>> -> memref<1x!tpu.dma_semaphore, #tpu.memory_space<semaphore_mem>>
      %dma_wait3A_673 = tpu.memref_squeeze %dma_wait3A_672 : memref<1x!tpu.dma_semaphore, #tpu.memory_space<semaphore_mem>> -> memref<!tpu.dma_semaphore, #tpu.memory_space<semaphore_mem>>
      tpu.wait_indirect_dma semaphore(%dma_wait3A_673 : memref<!tpu.dma_semaphore, #tpu.memory_space<semaphore_mem>>) src(%dma_wait3A_671 : memref<10000x128xf32, #tpu.memory_space<hbm>>) dst(%dma_wait3A_665 : memref<80x128xf32, #tpu.memory_space<vmem>>)
      %dma_start3A_674 = arith.constant 2 : i32
      %dma_start3A_675 = arith.constant 2 : i32
      %dma_start3A_676 = arith.constant 2 : i32
      %dma_start3A_677 = arith.constant 0 : i32
      %dma_start3A_678 = arith.constant 0 : i32
      %dma_start3A_679 = tpu.memref_slice %arg12[%dma_start3A_674, %dma_start3A_677, %dma_start3A_678] : memref<3x80x128xf32, #tpu.memory_space<vmem>> -> memref<1x80x128xf32, #tpu.memory_space<vmem>>
      %dma_start3A_680 = tpu.memref_squeeze %dma_start3A_679 : memref<1x80x128xf32, #tpu.memory_space<vmem>> -> memref<80x128xf32, #tpu.memory_space<vmem>>
      %dma_start3A_681 = arith.constant 0 : i32
      %dma_start3A_682 = tpu.memref_slice %arg11[%rem3A_573, %dma_start3A_675, %dma_start3A_681] : memref<2x3x80xi32, #tpu.memory_space<vmem>> -> memref<1x1x80xi32, #tpu.memory_space<vmem>>
      %dma_start3A_683 = tpu.memref_squeeze %dma_start3A_682 : memref<1x1x80xi32, #tpu.memory_space<vmem>> -> memref<80xi32, #tpu.memory_space<vmem>>
      %dma_start3A_684 = arith.constant 0 : i32
      %dma_start3A_685 = arith.constant 0 : i32
      %dma_start3A_686 = tpu.memref_slice %arg16[%dma_start3A_684, %dma_start3A_685] : memref<10240x128xf32, #tpu.memory_space<vmem_shared>> -> memref<10240x128xf32, #tpu.memory_space<vmem_shared>>
      %dma_start3A_687 = tpu.memref_slice %arg19[%dma_start3A_676] : memref<3x!tpu.dma_semaphore, #tpu.memory_space<semaphore_mem>> -> memref<1x!tpu.dma_semaphore, #tpu.memory_space<semaphore_mem>>
      %dma_start3A_688 = tpu.memref_squeeze %dma_start3A_687 : memref<1x!tpu.dma_semaphore, #tpu.memory_space<semaphore_mem>> -> memref<!tpu.dma_semaphore, #tpu.memory_space<semaphore_mem>>
      tpu.enqueue_indirect_dma source(%dma_start3A_680 : memref<80x128xf32, #tpu.memory_space<vmem>>) target(%dma_start3A_686 : memref<10240x128xf32, #tpu.memory_space<vmem_shared>>) offsets(%dma_start3A_683 : memref<80xi32, #tpu.memory_space<vmem>>) semaphore(%dma_start3A_688 : memref<!tpu.dma_semaphore, #tpu.memory_space<semaphore_mem>>) {add = true}
      %dma_start3A_689 = arith.constant 2 : i32
      %dma_start3A_690 = arith.constant 0 : i32
      %dma_start3A_691 = tpu.memref_slice %arg11[%rem3A_573, %dma_start3A_689, %dma_start3A_690] : memref<2x3x80xi32, #tpu.memory_space<vmem>> -> memref<1x1x80xi32, #tpu.memory_space<vmem>>
      %dma_start3A_692 = tpu.memref_squeeze %dma_start3A_691 : memref<1x1x80xi32, #tpu.memory_space<vmem>> -> memref<80xi32, #tpu.memory_space<vmem>>
      %dma_start3A_693 = arith.constant 0 : i32
      %dma_start3A_694 = arith.constant 0 : i32
      %dma_start3A_695 = tpu.memref_slice %arg17[%dma_start3A_693, %dma_start3A_694] : memref<10240x16xf32, #tpu.memory_space<vmem_shared>> -> memref<10240x16xf32, #tpu.memory_space<vmem_shared>>
      tpu.enqueue_indirect_dma source(%arg13 : memref<80x16xf32, #tpu.memory_space<vmem>>) target(%dma_start3A_695 : memref<10240x16xf32, #tpu.memory_space<vmem_shared>>) offsets(%dma_start3A_692 : memref<80xi32, #tpu.memory_space<vmem>>) semaphore(%arg20 : memref<!tpu.dma_semaphore, #tpu.memory_space<semaphore_mem>>) {add = true}
      %add3A_696 = arith.constant 1 : i32
      %add3A_697 = arith.addi %scan3A_572, %add3A_696 : i32
      %lt3A_698 = arith.constant 42 : i32
      %lt3A_699 = arith.cmpi slt, %add3A_697, %lt3A_698 : i32
      %convert_element_type3A_700 = arith.extui %lt3A_699 : i1 to i32
      %cond3A_701 = arith.constant 0 : i32
      %cond3A_702 = arith.cmpi ne, %convert_element_type3A_700, %cond3A_701 : i32
      scf.if %cond3A_702 {
        %dma_wait3A_734 = arith.constant 2 : i32
        %dma_wait3A_735 = arith.constant 2 : i32
        %dma_wait3A_736 = arith.constant 2 : i32
        %dma_wait3A_737 = arith.constant 0 : i32
        %dma_wait3A_738 = arith.constant 0 : i32
        %dma_wait3A_739 = tpu.memref_slice %arg12[%dma_wait3A_734, %dma_wait3A_737, %dma_wait3A_738] : memref<3x80x128xf32, #tpu.memory_space<vmem>> -> memref<1x80x128xf32, #tpu.memory_space<vmem>>
        %dma_wait3A_740 = tpu.memref_squeeze %dma_wait3A_739 : memref<1x80x128xf32, #tpu.memory_space<vmem>> -> memref<80x128xf32, #tpu.memory_space<vmem>>
        %dma_wait3A_741 = arith.constant 0 : i32
        %dma_wait3A_742 = tpu.memref_slice %arg11[%rem3A_573, %dma_wait3A_735, %dma_wait3A_741] : memref<2x3x80xi32, #tpu.memory_space<vmem>> -> memref<1x1x80xi32, #tpu.memory_space<vmem>>
        %dma_wait3A_743 = tpu.memref_squeeze %dma_wait3A_742 : memref<1x1x80xi32, #tpu.memory_space<vmem>> -> memref<80xi32, #tpu.memory_space<vmem>>
        %dma_wait3A_744 = arith.constant 0 : i32
        %dma_wait3A_745 = arith.constant 0 : i32
        %dma_wait3A_746 = tpu.memref_slice %arg16[%dma_wait3A_744, %dma_wait3A_745] : memref<10240x128xf32, #tpu.memory_space<vmem_shared>> -> memref<10240x128xf32, #tpu.memory_space<vmem_shared>>
        %dma_wait3A_747 = tpu.memref_slice %arg19[%dma_wait3A_736] : memref<3x!tpu.dma_semaphore, #tpu.memory_space<semaphore_mem>> -> memref<1x!tpu.dma_semaphore, #tpu.memory_space<semaphore_mem>>
        %dma_wait3A_748 = tpu.memref_squeeze %dma_wait3A_747 : memref<1x!tpu.dma_semaphore, #tpu.memory_space<semaphore_mem>> -> memref<!tpu.dma_semaphore, #tpu.memory_space<semaphore_mem>>
        tpu.wait_indirect_dma semaphore(%dma_wait3A_748 : memref<!tpu.dma_semaphore, #tpu.memory_space<semaphore_mem>>) src(%dma_wait3A_740 : memref<80x128xf32, #tpu.memory_space<vmem>>) dst(%dma_wait3A_746 : memref<10240x128xf32, #tpu.memory_space<vmem_shared>>)
        %sub3A = arith.constant 1 : i32
        %sub3A_749 = arith.subi %sub3A, %rem3A_573 : i32
        %dma_start3A_750 = arith.constant 2 : i32
        %dma_start3A_751 = arith.constant 2 : i32
        %dma_start3A_752 = arith.constant 2 : i32
        %dma_start3A_753 = arith.constant 0 : i32
        %dma_start3A_754 = arith.constant 0 : i32
        %dma_start3A_755 = tpu.memref_slice %arg12[%dma_start3A_751, %dma_start3A_753, %dma_start3A_754] : memref<3x80x128xf32, #tpu.memory_space<vmem>> -> memref<1x80x128xf32, #tpu.memory_space<vmem>>
        %dma_start3A_756 = tpu.memref_squeeze %dma_start3A_755 : memref<1x80x128xf32, #tpu.memory_space<vmem>> -> memref<80x128xf32, #tpu.memory_space<vmem>>
        %dma_start3A_757 = arith.constant 0 : i32
        %dma_start3A_758 = tpu.memref_slice %arg10[%sub3A_749, %dma_start3A_750, %dma_start3A_757] : memref<2x3x80xi32, #tpu.memory_space<vmem>> -> memref<1x1x80xi32, #tpu.memory_space<vmem>>
        %dma_start3A_759 = tpu.memref_squeeze %dma_start3A_758 : memref<1x1x80xi32, #tpu.memory_space<vmem>> -> memref<80xi32, #tpu.memory_space<vmem>>
        %dma_start3A_760 = arith.constant 0 : i32
        %dma_start3A_761 = arith.constant 0 : i32
        %dma_start3A_762 = tpu.memref_slice %arg2[%dma_start3A_760, %dma_start3A_761] : memref<10000x128xf32, #tpu.memory_space<hbm>> -> memref<10000x128xf32, #tpu.memory_space<hbm>>
        %dma_start3A_763 = tpu.memref_slice %arg18[%dma_start3A_752] : memref<3x!tpu.dma_semaphore, #tpu.memory_space<semaphore_mem>> -> memref<1x!tpu.dma_semaphore, #tpu.memory_space<semaphore_mem>>
        %dma_start3A_764 = tpu.memref_squeeze %dma_start3A_763 : memref<1x!tpu.dma_semaphore, #tpu.memory_space<semaphore_mem>> -> memref<!tpu.dma_semaphore, #tpu.memory_space<semaphore_mem>>
        tpu.enqueue_indirect_dma source(%dma_start3A_762 : memref<10000x128xf32, #tpu.memory_space<hbm>>) target(%dma_start3A_756 : memref<80x128xf32, #tpu.memory_space<vmem>>) offsets(%dma_start3A_759 : memref<80xi32, #tpu.memory_space<vmem>>) semaphore(%dma_start3A_764 : memref<!tpu.dma_semaphore, #tpu.memory_space<semaphore_mem>>)
      } else {
      }
      %dma_wait3A_703 = arith.constant 0 : i32
      %dma_wait3A_704 = arith.constant 0 : i32
      %dma_wait3A_705 = arith.constant 0 : i32
      %dma_wait3A_706 = tpu.memref_slice %arg11[%dma_wait3A_703, %dma_wait3A_704, %dma_wait3A_705] : memref<2x3x80xi32, #tpu.memory_space<vmem>> -> memref<1x1x80xi32, #tpu.memory_space<vmem>>
      %dma_wait3A_707 = tpu.memref_squeeze %dma_wait3A_706 : memref<1x1x80xi32, #tpu.memory_space<vmem>> -> memref<80xi32, #tpu.memory_space<vmem>>
      %dma_wait3A_708 = arith.constant 0 : i32
      %dma_wait3A_709 = arith.constant 0 : i32
      %dma_wait3A_710 = tpu.memref_slice %arg17[%dma_wait3A_708, %dma_wait3A_709] : memref<10240x16xf32, #tpu.memory_space<vmem_shared>> -> memref<10240x16xf32, #tpu.memory_space<vmem_shared>>
      tpu.wait_indirect_dma semaphore(%arg20 : memref<!tpu.dma_semaphore, #tpu.memory_space<semaphore_mem>>) src(%arg13 : memref<80x16xf32, #tpu.memory_space<vmem>>) dst(%dma_wait3A_710 : memref<10240x16xf32, #tpu.memory_space<vmem_shared>>)
      %dma_wait3A_711 = arith.constant 0 : i32
      %dma_wait3A_712 = arith.constant 0 : i32
      %dma_wait3A_713 = arith.constant 0 : i32
      %dma_wait3A_714 = tpu.memref_slice %arg11[%dma_wait3A_711, %dma_wait3A_712, %dma_wait3A_713] : memref<2x3x80xi32, #tpu.memory_space<vmem>> -> memref<1x1x80xi32, #tpu.memory_space<vmem>>
      %dma_wait3A_715 = tpu.memref_squeeze %dma_wait3A_714 : memref<1x1x80xi32, #tpu.memory_space<vmem>> -> memref<80xi32, #tpu.memory_space<vmem>>
      %dma_wait3A_716 = arith.constant 0 : i32
      %dma_wait3A_717 = arith.constant 0 : i32
      %dma_wait3A_718 = tpu.memref_slice %arg17[%dma_wait3A_716, %dma_wait3A_717] : memref<10240x16xf32, #tpu.memory_space<vmem_shared>> -> memref<10240x16xf32, #tpu.memory_space<vmem_shared>>
      tpu.wait_indirect_dma semaphore(%arg20 : memref<!tpu.dma_semaphore, #tpu.memory_space<semaphore_mem>>) src(%arg13 : memref<80x16xf32, #tpu.memory_space<vmem>>) dst(%dma_wait3A_718 : memref<10240x16xf32, #tpu.memory_space<vmem_shared>>)
      %dma_wait3A_719 = arith.constant 0 : i32
      %dma_wait3A_720 = arith.constant 0 : i32
      %dma_wait3A_721 = arith.constant 0 : i32
      %dma_wait3A_722 = tpu.memref_slice %arg11[%dma_wait3A_719, %dma_wait3A_720, %dma_wait3A_721] : memref<2x3x80xi32, #tpu.memory_space<vmem>> -> memref<1x1x80xi32, #tpu.memory_space<vmem>>
      %dma_wait3A_723 = tpu.memref_squeeze %dma_wait3A_722 : memref<1x1x80xi32, #tpu.memory_space<vmem>> -> memref<80xi32, #tpu.memory_space<vmem>>
      %dma_wait3A_724 = arith.constant 0 : i32
      %dma_wait3A_725 = arith.constant 0 : i32
      %dma_wait3A_726 = tpu.memref_slice %arg17[%dma_wait3A_724, %dma_wait3A_725] : memref<10240x16xf32, #tpu.memory_space<vmem_shared>> -> memref<10240x16xf32, #tpu.memory_space<vmem_shared>>
      tpu.wait_indirect_dma semaphore(%arg20 : memref<!tpu.dma_semaphore, #tpu.memory_space<semaphore_mem>>) src(%arg13 : memref<80x16xf32, #tpu.memory_space<vmem>>) dst(%dma_wait3A_726 : memref<10240x16xf32, #tpu.memory_space<vmem_shared>>)
      %add3A_727 = arith.constant 2 : i32
      %add3A_728 = arith.addi %scan3A_572, %add3A_727 : i32
      %lt3A_729 = arith.constant 42 : i32
      %lt3A_730 = arith.cmpi slt, %add3A_728, %lt3A_729 : i32
      %convert_element_type3A_731 = arith.extui %lt3A_730 : i1 to i32
      %cond3A_732 = arith.constant 0 : i32
      %cond3A_733 = arith.cmpi ne, %convert_element_type3A_731, %cond3A_732 : i32
      scf.if %cond3A_733 {
        %add3A_734 = arith.constant 2 : i32
        %add3A_735 = arith.addi %scan3A_572, %add3A_734 : i32
        %mul3A_736 = arith.constant 3 : i32
        %mul3A_737 = arith.muli %add3A_735, %mul3A_736 : i32
        %add3A_738 = arith.addi %mul3A_2, %mul3A_737 : i32
        %dma_start3A_739 = arith.constant 0 : i32
        %dma_start3A_740 = arith.constant 0 : i32
        %dma_start3A_741 = tpu.memref_slice %arg10[%rem3A_573, %dma_start3A_739, %dma_start3A_740] : memref<2x3x80xi32, #tpu.memory_space<vmem>> -> memref<1x3x80xi32, #tpu.memory_space<vmem>>
        %dma_start3A_742 = tpu.memref_squeeze %dma_start3A_741 : memref<1x3x80xi32, #tpu.memory_space<vmem>> -> memref<3x80xi32, #tpu.memory_space<vmem>>
        %dma_start3A_743 = arith.constant 0 : i32
        %dma_start3A_744 = tpu.memref_slice %arg3[%add3A_738, %dma_start3A_743] : memref<4032x80xi32, #tpu.memory_space<hbm>> -> memref<3x80xi32, #tpu.memory_space<hbm>>
        %dma_start3A_745 = tpu.memref_slice %arg21[%rem3A_573] : memref<2x!tpu.dma_semaphore, #tpu.memory_space<semaphore_mem>> -> memref<1x!tpu.dma_semaphore, #tpu.memory_space<semaphore_mem>>
        %dma_start3A_746 = tpu.memref_squeeze %dma_start3A_745 : memref<1x!tpu.dma_semaphore, #tpu.memory_space<semaphore_mem>> -> memref<!tpu.dma_semaphore, #tpu.memory_space<semaphore_mem>>
        %dma_start3A_747 = arith.constant 0 : i32
        %dma_start3A_748 = arith.constant 0 : i32
        %dma_start3A_749 = tpu.memref_slice %arg10[%rem3A_573, %dma_start3A_747, %dma_start3A_748] : memref<2x3x80xi32, #tpu.memory_space<vmem>> -> memref<1x3x80xi32, #tpu.memory_space<vmem>>
        %dma_start3A_750 = tpu.memref_squeeze %dma_start3A_749 : memref<1x3x80xi32, #tpu.memory_space<vmem>> -> memref<3x80xi32, #tpu.memory_space<vmem>>
        %dma_start3A_751 = arith.constant 0 : i32
        %dma_start3A_752 = tpu.memref_slice %arg3[%add3A_738, %dma_start3A_751] : memref<4032x80xi32, #tpu.memory_space<hbm>> -> memref<3x80xi32, #tpu.memory_space<hbm>>
        tpu.enqueue_dma source(%dma_start3A_752 : memref<3x80xi32, #tpu.memory_space<hbm>>) target(%dma_start3A_750 : memref<3x80xi32, #tpu.memory_space<vmem>>) target_semaphore(%dma_start3A_746 : memref<!tpu.dma_semaphore, #tpu.memory_space<semaphore_mem>>)
        %mul3A_753 = arith.constant 3 : i32
        %mul3A_754 = arith.muli %add3A_735, %mul3A_753 : i32
        %add3A_755 = arith.addi %mul3A_2, %mul3A_754 : i32
        %dma_start3A_756 = arith.constant 0 : i32
        %dma_start3A_757 = arith.constant 0 : i32
        %dma_start3A_758 = tpu.memref_slice %arg11[%rem3A_573, %dma_start3A_756, %dma_start3A_757] : memref<2x3x80xi32, #tpu.memory_space<vmem>> -> memref<1x3x80xi32, #tpu.memory_space<vmem>>
        %dma_start3A_759 = tpu.memref_squeeze %dma_start3A_758 : memref<1x3x80xi32, #tpu.memory_space<vmem>> -> memref<3x80xi32, #tpu.memory_space<vmem>>
        %dma_start3A_760 = arith.constant 0 : i32
        %dma_start3A_761 = tpu.memref_slice %arg4[%add3A_755, %dma_start3A_760] : memref<4032x80xi32, #tpu.memory_space<hbm>> -> memref<3x80xi32, #tpu.memory_space<hbm>>
        %dma_start3A_762 = tpu.memref_slice %arg21[%rem3A_573] : memref<2x!tpu.dma_semaphore, #tpu.memory_space<semaphore_mem>> -> memref<1x!tpu.dma_semaphore, #tpu.memory_space<semaphore_mem>>
        %dma_start3A_763 = tpu.memref_squeeze %dma_start3A_762 : memref<1x!tpu.dma_semaphore, #tpu.memory_space<semaphore_mem>> -> memref<!tpu.dma_semaphore, #tpu.memory_space<semaphore_mem>>
        %dma_start3A_764 = arith.constant 0 : i32
        %dma_start3A_765 = arith.constant 0 : i32
        %dma_start3A_766 = tpu.memref_slice %arg11[%rem3A_573, %dma_start3A_764, %dma_start3A_765] : memref<2x3x80xi32, #tpu.memory_space<vmem>> -> memref<1x3x80xi32, #tpu.memory_space<vmem>>
        %dma_start3A_767 = tpu.memref_squeeze %dma_start3A_766 : memref<1x3x80xi32, #tpu.memory_space<vmem>> -> memref<3x80xi32, #tpu.memory_space<vmem>>
        %dma_start3A_768 = arith.constant 0 : i32
        %dma_start3A_769 = tpu.memref_slice %arg4[%add3A_755, %dma_start3A_768] : memref<4032x80xi32, #tpu.memory_space<hbm>> -> memref<3x80xi32, #tpu.memory_space<hbm>>
        tpu.enqueue_dma source(%dma_start3A_769 : memref<3x80xi32, #tpu.memory_space<hbm>>) target(%dma_start3A_767 : memref<3x80xi32, #tpu.memory_space<vmem>>) target_semaphore(%dma_start3A_763 : memref<!tpu.dma_semaphore, #tpu.memory_space<semaphore_mem>>)
      } else {
      }
    }
    %scan3A_165 = arith.constant 42 : i32
    %dma_wait3A_166 = arith.constant 0 : i32
    %dma_wait3A_167 = arith.constant 0 : i32
    %dma_wait3A_168 = arith.constant 0 : i32
    %dma_wait3A_169 = arith.constant 0 : i32
    %dma_wait3A_170 = arith.constant 0 : i32
    %dma_wait3A_171 = arith.constant 0 : i32
    %dma_wait3A_172 = tpu.memref_slice %arg12[%dma_wait3A_166, %dma_wait3A_170, %dma_wait3A_171] : memref<3x80x128xf32, #tpu.memory_space<vmem>> -> memref<1x80x128xf32, #tpu.memory_space<vmem>>
    %dma_wait3A_173 = tpu.memref_squeeze %dma_wait3A_172 : memref<1x80x128xf32, #tpu.memory_space<vmem>> -> memref<80x128xf32, #tpu.memory_space<vmem>>
    %dma_wait3A_174 = arith.constant 0 : i32
    %dma_wait3A_175 = tpu.memref_slice %arg11[%dma_wait3A_167, %dma_wait3A_168, %dma_wait3A_174] : memref<2x3x80xi32, #tpu.memory_space<vmem>> -> memref<1x1x80xi32, #tpu.memory_space<vmem>>
    %dma_wait3A_176 = tpu.memref_squeeze %dma_wait3A_175 : memref<1x1x80xi32, #tpu.memory_space<vmem>> -> memref<80xi32, #tpu.memory_space<vmem>>
    %dma_wait3A_177 = arith.constant 0 : i32
    %dma_wait3A_178 = arith.constant 0 : i32
    %dma_wait3A_179 = tpu.memref_slice %arg16[%dma_wait3A_177, %dma_wait3A_178] : memref<10240x128xf32, #tpu.memory_space<vmem_shared>> -> memref<10240x128xf32, #tpu.memory_space<vmem_shared>>
    %dma_wait3A_180 = tpu.memref_slice %arg19[%dma_wait3A_169] : memref<3x!tpu.dma_semaphore, #tpu.memory_space<semaphore_mem>> -> memref<1x!tpu.dma_semaphore, #tpu.memory_space<semaphore_mem>>
    %dma_wait3A_181 = tpu.memref_squeeze %dma_wait3A_180 : memref<1x!tpu.dma_semaphore, #tpu.memory_space<semaphore_mem>> -> memref<!tpu.dma_semaphore, #tpu.memory_space<semaphore_mem>>
    tpu.wait_indirect_dma semaphore(%dma_wait3A_181 : memref<!tpu.dma_semaphore, #tpu.memory_space<semaphore_mem>>) src(%dma_wait3A_173 : memref<80x128xf32, #tpu.memory_space<vmem>>) dst(%dma_wait3A_179 : memref<10240x128xf32, #tpu.memory_space<vmem_shared>>)
    %dma_wait3A_182 = arith.constant 1 : i32
    %dma_wait3A_183 = arith.constant 0 : i32
    %dma_wait3A_184 = arith.constant 1 : i32
    %dma_wait3A_185 = arith.constant 1 : i32
    %dma_wait3A_186 = arith.constant 0 : i32
    %dma_wait3A_187 = arith.constant 0 : i32
    %dma_wait3A_188 = tpu.memref_slice %arg12[%dma_wait3A_182, %dma_wait3A_186, %dma_wait3A_187] : memref<3x80x128xf32, #tpu.memory_space<vmem>> -> memref<1x80x128xf32, #tpu.memory_space<vmem>>
    %dma_wait3A_189 = tpu.memref_squeeze %dma_wait3A_188 : memref<1x80x128xf32, #tpu.memory_space<vmem>> -> memref<80x128xf32, #tpu.memory_space<vmem>>
    %dma_wait3A_190 = arith.constant 0 : i32
    %dma_wait3A_191 = tpu.memref_slice %arg11[%dma_wait3A_183, %dma_wait3A_184, %dma_wait3A_190] : memref<2x3x80xi32, #tpu.memory_space<vmem>> -> memref<1x1x80xi32, #tpu.memory_space<vmem>>
    %dma_wait3A_192 = tpu.memref_squeeze %dma_wait3A_191 : memref<1x1x80xi32, #tpu.memory_space<vmem>> -> memref<80xi32, #tpu.memory_space<vmem>>
    %dma_wait3A_193 = arith.constant 0 : i32
    %dma_wait3A_194 = arith.constant 0 : i32
    %dma_wait3A_195 = tpu.memref_slice %arg16[%dma_wait3A_193, %dma_wait3A_194] : memref<10240x128xf32, #tpu.memory_space<vmem_shared>> -> memref<10240x128xf32, #tpu.memory_space<vmem_shared>>
    %dma_wait3A_196 = tpu.memref_slice %arg19[%dma_wait3A_185] : memref<3x!tpu.dma_semaphore, #tpu.memory_space<semaphore_mem>> -> memref<1x!tpu.dma_semaphore, #tpu.memory_space<semaphore_mem>>
    %dma_wait3A_197 = tpu.memref_squeeze %dma_wait3A_196 : memref<1x!tpu.dma_semaphore, #tpu.memory_space<semaphore_mem>> -> memref<!tpu.dma_semaphore, #tpu.memory_space<semaphore_mem>>
    tpu.wait_indirect_dma semaphore(%dma_wait3A_197 : memref<!tpu.dma_semaphore, #tpu.memory_space<semaphore_mem>>) src(%dma_wait3A_189 : memref<80x128xf32, #tpu.memory_space<vmem>>) dst(%dma_wait3A_195 : memref<10240x128xf32, #tpu.memory_space<vmem_shared>>)
    %dma_wait3A_198 = arith.constant 2 : i32
    %dma_wait3A_199 = arith.constant 0 : i32
    %dma_wait3A_200 = arith.constant 2 : i32
    %dma_wait3A_201 = arith.constant 2 : i32
    %dma_wait3A_202 = arith.constant 0 : i32
    %dma_wait3A_203 = arith.constant 0 : i32
    %dma_wait3A_204 = tpu.memref_slice %arg12[%dma_wait3A_198, %dma_wait3A_202, %dma_wait3A_203] : memref<3x80x128xf32, #tpu.memory_space<vmem>> -> memref<1x80x128xf32, #tpu.memory_space<vmem>>
    %dma_wait3A_205 = tpu.memref_squeeze %dma_wait3A_204 : memref<1x80x128xf32, #tpu.memory_space<vmem>> -> memref<80x128xf32, #tpu.memory_space<vmem>>
    %dma_wait3A_206 = arith.constant 0 : i32
    %dma_wait3A_207 = tpu.memref_slice %arg11[%dma_wait3A_199, %dma_wait3A_200, %dma_wait3A_206] : memref<2x3x80xi32, #tpu.memory_space<vmem>> -> memref<1x1x80xi32, #tpu.memory_space<vmem>>
    %dma_wait3A_208 = tpu.memref_squeeze %dma_wait3A_207 : memref<1x1x80xi32, #tpu.memory_space<vmem>> -> memref<80xi32, #tpu.memory_space<vmem>>
    %dma_wait3A_209 = arith.constant 0 : i32
    %dma_wait3A_210 = arith.constant 0 : i32
    %dma_wait3A_211 = tpu.memref_slice %arg16[%dma_wait3A_209, %dma_wait3A_210] : memref<10240x128xf32, #tpu.memory_space<vmem_shared>> -> memref<10240x128xf32, #tpu.memory_space<vmem_shared>>
    %dma_wait3A_212 = tpu.memref_slice %arg19[%dma_wait3A_201] : memref<3x!tpu.dma_semaphore, #tpu.memory_space<semaphore_mem>> -> memref<1x!tpu.dma_semaphore, #tpu.memory_space<semaphore_mem>>
    %dma_wait3A_213 = tpu.memref_squeeze %dma_wait3A_212 : memref<1x!tpu.dma_semaphore, #tpu.memory_space<semaphore_mem>> -> memref<!tpu.dma_semaphore, #tpu.memory_space<semaphore_mem>>
    tpu.wait_indirect_dma semaphore(%dma_wait3A_213 : memref<!tpu.dma_semaphore, #tpu.memory_space<semaphore_mem>>) src(%dma_wait3A_205 : memref<80x128xf32, #tpu.memory_space<vmem>>) dst(%dma_wait3A_211 : memref<10240x128xf32, #tpu.memory_space<vmem_shared>>)
    %barrier3A_214 = arith.constant 0 : index
    tpu.barrier barrier_id(%barrier3A_214)
    %mul3A_215 = arith.constant 640 : i32
    %mul3A_216 = arith.muli %arg1, %mul3A_215 : i32
    %mul3A_217 = arith.constant 640 : i32
    %mul3A_218 = arith.muli %arg1, %mul3A_217 : i32
    "tpu.region"() ({
      %run_scoped3A = tpu.sem_alloc : memref<!tpu.dma_semaphore, #tpu.memory_space<semaphore_mem>>
      %dma_start3A_572 = arith.constant 0 : i32
      %dma_start3A_573 = tpu.memref_slice %arg8[%arg0, %mul3A_218, %dma_start3A_572] : memref<2x10240x128xf32, #tpu.memory_space<hbm>> -> memref<1x640x128xf32, #tpu.memory_space<hbm>>
      %dma_start3A_574 = tpu.memref_squeeze %dma_start3A_573 : memref<1x640x128xf32, #tpu.memory_space<hbm>> -> memref<640x128xf32, #tpu.memory_space<hbm>>
      %dma_start3A_575 = arith.constant 0 : i32
      %dma_start3A_576 = tpu.memref_slice %arg16[%mul3A_216, %dma_start3A_575] : memref<10240x128xf32, #tpu.memory_space<vmem_shared>> -> memref<640x128xf32, #tpu.memory_space<vmem_shared>>
      tpu.enqueue_dma source(%dma_start3A_576 : memref<640x128xf32, #tpu.memory_space<vmem_shared>>) target(%dma_start3A_574 : memref<640x128xf32, #tpu.memory_space<hbm>>) target_semaphore(%run_scoped3A : memref<!tpu.dma_semaphore, #tpu.memory_space<semaphore_mem>>)
      %dma_wait3A_577 = arith.constant 0 : i32
      %dma_wait3A_578 = tpu.memref_slice %arg8[%arg0, %mul3A_218, %dma_wait3A_577] : memref<2x10240x128xf32, #tpu.memory_space<hbm>> -> memref<1x640x128xf32, #tpu.memory_space<hbm>>
      %dma_wait3A_579 = tpu.memref_squeeze %dma_wait3A_578 : memref<1x640x128xf32, #tpu.memory_space<hbm>> -> memref<640x128xf32, #tpu.memory_space<hbm>>
      %dma_wait3A_580 = arith.constant 0 : i32
      %dma_wait3A_581 = tpu.memref_slice %arg16[%mul3A_216, %dma_wait3A_580] : memref<10240x128xf32, #tpu.memory_space<vmem_shared>> -> memref<640x128xf32, #tpu.memory_space<vmem_shared>>
      tpu.wait_dma2 semaphore(%run_scoped3A : memref<!tpu.dma_semaphore, #tpu.memory_space<semaphore_mem>>) src(%dma_wait3A_581 : memref<640x128xf32, #tpu.memory_space<vmem_shared>>) dst(%dma_wait3A_579 : memref<640x128xf32, #tpu.memory_space<hbm>>)
      tpu.yield
    }) : () -> ()
    %broadcast_in_dim3A = arith.constant 0 : i32
    %broadcast_in_dim3A_219 = vector.broadcast %broadcast_in_dim3A : i32 to vector<16xi32>
    %iota3A = tpu.iota {dimensions = array<i32: 0>} : vector<16xi32>
    %mul3A_220 = arith.constant 640 : i32
    %mul3A_221 = arith.muli %arg1, %mul3A_220 : i32
    %add3A_222 = arith.constant 0 : i32
    %add3A_223 = arith.addi %mul3A_221, %add3A_222 : i32
    "tpu.region"() ({
      %run_scoped3A = tpu.sem_alloc : memref<!tpu.dma_semaphore, #tpu.memory_space<semaphore_mem>>
      %dma_start3A_572 = arith.constant 0 : i32
      %dma_start3A_573 = tpu.memref_slice %arg17[%add3A_223, %dma_start3A_572] : memref<10240x16xf32, #tpu.memory_space<vmem_shared>> -> memref<80x16xf32, #tpu.memory_space<vmem_shared>>
      %dma_start3A_574 = arith.constant 0 : i32
      %dma_start3A_575 = tpu.memref_slice %arg17[%add3A_223, %dma_start3A_574] : memref<10240x16xf32, #tpu.memory_space<vmem_shared>> -> memref<80x16xf32, #tpu.memory_space<vmem_shared>>
      tpu.enqueue_dma source(%dma_start3A_575 : memref<80x16xf32, #tpu.memory_space<vmem_shared>>) target(%arg14 : memref<80x16xf32, #tpu.memory_space<vmem>>) target_semaphore(%run_scoped3A : memref<!tpu.dma_semaphore, #tpu.memory_space<semaphore_mem>>)
      %dma_wait3A_576 = arith.constant 0 : i32
      %dma_wait3A_577 = tpu.memref_slice %arg17[%add3A_223, %dma_wait3A_576] : memref<10240x16xf32, #tpu.memory_space<vmem_shared>> -> memref<80x16xf32, #tpu.memory_space<vmem_shared>>
      %dma_wait3A_578 = arith.constant 0 : i32
      %dma_wait3A_579 = tpu.memref_slice %arg17[%add3A_223, %dma_wait3A_578] : memref<10240x16xf32, #tpu.memory_space<vmem_shared>> -> memref<80x16xf32, #tpu.memory_space<vmem_shared>>
      tpu.wait_dma2 semaphore(%run_scoped3A : memref<!tpu.dma_semaphore, #tpu.memory_space<semaphore_mem>>) src(%dma_wait3A_579 : memref<80x16xf32, #tpu.memory_space<vmem_shared>>) dst(%arg14 : memref<80x16xf32, #tpu.memory_space<vmem>>)
      tpu.yield
    }) : () -> ()
    %add3A_224 = arith.constant 0 : i32
    %add3A_225 = vector.broadcast %add3A_224 : i32 to vector<16xi32>
    %add3A_226 = arith.addi %iota3A, %add3A_225 : vector<16xi32>
    %gather3A = tpu.vector_load_idx %arg14[%add3A_226, %broadcast_in_dim3A_219] : memref<80x16xf32, #tpu.memory_space<vmem>>[vector<16xi32>, vector<16xi32>], vector<16xf32>,
    %swap3A = arith.constant 0 : i32
    %swap3A_227 = arith.index_cast %swap3A : i32 to index
    %swap3A_228 = arith.constant 0 : index
    %swap3A_229 = tpu.vector_load %arg15[%swap3A_227, %swap3A_228] {strides = array<i32>} : memref<5x128xf32, #tpu.memory_space<vmem>>, vector<16xf32>,
    tpu.vector_store %arg15[%swap3A_227, %swap3A_228], %gather3A {strides = array<i32>} : memref<5x128xf32, #tpu.memory_space<vmem>>, vector<16xf32>,
    %add3A_230 = arith.constant 16 : i32
    %add3A_231 = vector.broadcast %add3A_230 : i32 to vector<16xi32>
    %add3A_232 = arith.addi %iota3A, %add3A_231 : vector<16xi32>
    %gather3A_233 = tpu.vector_load_idx %arg14[%add3A_232, %broadcast_in_dim3A_219] : memref<80x16xf32, #tpu.memory_space<vmem>>[vector<16xi32>, vector<16xi32>], vector<16xf32>,
    %swap3A_234 = arith.constant 0 : i32
    %swap3A_235 = arith.index_cast %swap3A_234 : i32 to index
    %swap3A_236 = arith.constant 16 : index
    %swap3A_237 = tpu.vector_load %arg15[%swap3A_235, %swap3A_236] {strides = array<i32>} : memref<5x128xf32, #tpu.memory_space<vmem>>, vector<16xf32>,
    tpu.vector_store %arg15[%swap3A_235, %swap3A_236], %gather3A_233 {strides = array<i32>} : memref<5x128xf32, #tpu.memory_space<vmem>>, vector<16xf32>,
    %add3A_238 = arith.constant 32 : i32
    %add3A_239 = vector.broadcast %add3A_238 : i32 to vector<16xi32>
    %add3A_240 = arith.addi %iota3A, %add3A_239 : vector<16xi32>
    %gather3A_241 = tpu.vector_load_idx %arg14[%add3A_240, %broadcast_in_dim3A_219] : memref<80x16xf32, #tpu.memory_space<vmem>>[vector<16xi32>, vector<16xi32>], vector<16xf32>,
    %swap3A_242 = arith.constant 0 : i32
    %swap3A_243 = arith.index_cast %swap3A_242 : i32 to index
    %swap3A_244 = arith.constant 32 : index
    %swap3A_245 = tpu.vector_load %arg15[%swap3A_243, %swap3A_244] {strides = array<i32>} : memref<5x128xf32, #tpu.memory_space<vmem>>, vector<16xf32>,
    tpu.vector_store %arg15[%swap3A_243, %swap3A_244], %gather3A_241 {strides = array<i32>} : memref<5x128xf32, #tpu.memory_space<vmem>>, vector<16xf32>,
    %add3A_246 = arith.constant 48 : i32
    %add3A_247 = vector.broadcast %add3A_246 : i32 to vector<16xi32>
    %add3A_248 = arith.addi %iota3A, %add3A_247 : vector<16xi32>
    %gather3A_249 = tpu.vector_load_idx %arg14[%add3A_248, %broadcast_in_dim3A_219] : memref<80x16xf32, #tpu.memory_space<vmem>>[vector<16xi32>, vector<16xi32>], vector<16xf32>,
    %swap3A_250 = arith.constant 0 : i32
    %swap3A_251 = arith.index_cast %swap3A_250 : i32 to index
    %swap3A_252 = arith.constant 48 : index
    %swap3A_253 = tpu.vector_load %arg15[%swap3A_251, %swap3A_252] {strides = array<i32>} : memref<5x128xf32, #tpu.memory_space<vmem>>, vector<16xf32>,
    tpu.vector_store %arg15[%swap3A_251, %swap3A_252], %gather3A_249 {strides = array<i32>} : memref<5x128xf32, #tpu.memory_space<vmem>>, vector<16xf32>,
    %add3A_254 = arith.constant 64 : i32
    %add3A_255 = vector.broadcast %add3A_254 : i32 to vector<16xi32>
    %add3A_256 = arith.addi %iota3A, %add3A_255 : vector<16xi32>
    %gather3A_257 = tpu.vector_load_idx %arg14[%add3A_256, %broadcast_in_dim3A_219] : memref<80x16xf32, #tpu.memory_space<vmem>>[vector<16xi32>, vector<16xi32>], vector<16xf32>,
    %swap3A_258 = arith.constant 0 : i32
    %swap3A_259 = arith.index_cast %swap3A_258 : i32 to index
    %swap3A_260 = arith.constant 64 : index
    %swap3A_261 = tpu.vector_load %arg15[%swap3A_259, %swap3A_260] {strides = array<i32>} : memref<5x128xf32, #tpu.memory_space<vmem>>, vector<16xf32>,
    tpu.vector_store %arg15[%swap3A_259, %swap3A_260], %gather3A_257 {strides = array<i32>} : memref<5x128xf32, #tpu.memory_space<vmem>>, vector<16xf32>,
    %mul3A_262 = arith.constant 640 : i32
    %mul3A_263 = arith.muli %arg1, %mul3A_262 : i32
    %add3A_264 = arith.constant 80 : i32
    %add3A_265 = arith.addi %mul3A_263, %add3A_264 : i32
    "tpu.region"() ({
      %run_scoped3A = tpu.sem_alloc : memref<!tpu.dma_semaphore, #tpu.memory_space<semaphore_mem>>
      %dma_start3A_572 = arith.constant 0 : i32
      %dma_start3A_573 = tpu.memref_slice %arg17[%add3A_265, %dma_start3A_572] : memref<10240x16xf32, #tpu.memory_space<vmem_shared>> -> memref<80x16xf32, #tpu.memory_space<vmem_shared>>
      %dma_start3A_574 = arith.constant 0 : i32
      %dma_start3A_575 = tpu.memref_slice %arg17[%add3A_265, %dma_start3A_574] : memref<10240x16xf32, #tpu.memory_space<vmem_shared>> -> memref<80x16xf32, #tpu.memory_space<vmem_shared>>
      tpu.enqueue_dma source(%dma_start3A_575 : memref<80x16xf32, #tpu.memory_space<vmem_shared>>) target(%arg14 : memref<80x16xf32, #tpu.memory_space<vmem>>) target_semaphore(%run_scoped3A : memref<!tpu.dma_semaphore, #tpu.memory_space<semaphore_mem>>)
      %dma_wait3A_576 = arith.constant 0 : i32
      %dma_wait3A_577 = tpu.memref_slice %arg17[%add3A_265, %dma_wait3A_576] : memref<10240x16xf32, #tpu.memory_space<vmem_shared>> -> memref<80x16xf32, #tpu.memory_space<vmem_shared>>
      %dma_wait3A_578 = arith.constant 0 : i32
      %dma_wait3A_579 = tpu.memref_slice %arg17[%add3A_265, %dma_wait3A_578] : memref<10240x16xf32, #tpu.memory_space<vmem_shared>> -> memref<80x16xf32, #tpu.memory_space<vmem_shared>>
      tpu.wait_dma2 semaphore(%run_scoped3A : memref<!tpu.dma_semaphore, #tpu.memory_space<semaphore_mem>>) src(%dma_wait3A_579 : memref<80x16xf32, #tpu.memory_space<vmem_shared>>) dst(%arg14 : memref<80x16xf32, #tpu.memory_space<vmem>>)
      tpu.yield
    }) : () -> ()
    %add3A_266 = arith.constant 0 : i32
    %add3A_267 = vector.broadcast %add3A_266 : i32 to vector<16xi32>
    %add3A_268 = arith.addi %iota3A, %add3A_267 : vector<16xi32>
    %gather3A_269 = tpu.vector_load_idx %arg14[%add3A_268, %broadcast_in_dim3A_219] : memref<80x16xf32, #tpu.memory_space<vmem>>[vector<16xi32>, vector<16xi32>], vector<16xf32>,
    %swap3A_270 = arith.constant 0 : i32
    %swap3A_271 = arith.index_cast %swap3A_270 : i32 to index
    %swap3A_272 = arith.constant 80 : index
    %swap3A_273 = tpu.vector_load %arg15[%swap3A_271, %swap3A_272] {strides = array<i32>} : memref<5x128xf32, #tpu.memory_space<vmem>>, vector<16xf32>,
    tpu.vector_store %arg15[%swap3A_271, %swap3A_272], %gather3A_269 {strides = array<i32>} : memref<5x128xf32, #tpu.memory_space<vmem>>, vector<16xf32>,
    %add3A_274 = arith.constant 16 : i32
    %add3A_275 = vector.broadcast %add3A_274 : i32 to vector<16xi32>
    %add3A_276 = arith.addi %iota3A, %add3A_275 : vector<16xi32>
    %gather3A_277 = tpu.vector_load_idx %arg14[%add3A_276, %broadcast_in_dim3A_219] : memref<80x16xf32, #tpu.memory_space<vmem>>[vector<16xi32>, vector<16xi32>], vector<16xf32>,
    %swap3A_278 = arith.constant 0 : i32
    %swap3A_279 = arith.index_cast %swap3A_278 : i32 to index
    %swap3A_280 = arith.constant 96 : index
    %swap3A_281 = tpu.vector_load %arg15[%swap3A_279, %swap3A_280] {strides = array<i32>} : memref<5x128xf32, #tpu.memory_space<vmem>>, vector<16xf32>,
    tpu.vector_store %arg15[%swap3A_279, %swap3A_280], %gather3A_277 {strides = array<i32>} : memref<5x128xf32, #tpu.memory_space<vmem>>, vector<16xf32>,
    %add3A_282 = arith.constant 32 : i32
    %add3A_283 = vector.broadcast %add3A_282 : i32 to vector<16xi32>
    %add3A_284 = arith.addi %iota3A, %add3A_283 : vector<16xi32>
    %gather3A_285 = tpu.vector_load_idx %arg14[%add3A_284, %broadcast_in_dim3A_219] : memref<80x16xf32, #tpu.memory_space<vmem>>[vector<16xi32>, vector<16xi32>], vector<16xf32>,
    %swap3A_286 = arith.constant 0 : i32
    %swap3A_287 = arith.index_cast %swap3A_286 : i32 to index
    %swap3A_288 = arith.constant 112 : index
    %swap3A_289 = tpu.vector_load %arg15[%swap3A_287, %swap3A_288] {strides = array<i32>} : memref<5x128xf32, #tpu.memory_space<vmem>>, vector<16xf32>,
    tpu.vector_store %arg15[%swap3A_287, %swap3A_288], %gather3A_285 {strides = array<i32>} : memref<5x128xf32, #tpu.memory_space<vmem>>, vector<16xf32>,
    %add3A_290 = arith.constant 48 : i32
    %add3A_291 = vector.broadcast %add3A_290 : i32 to vector<16xi32>
    %add3A_292 = arith.addi %iota3A, %add3A_291 : vector<16xi32>
    %gather3A_293 = tpu.vector_load_idx %arg14[%add3A_292, %broadcast_in_dim3A_219] : memref<80x16xf32, #tpu.memory_space<vmem>>[vector<16xi32>, vector<16xi32>], vector<16xf32>,
    %swap3A_294 = arith.constant 1 : i32
    %swap3A_295 = arith.index_cast %swap3A_294 : i32 to index
    %swap3A_296 = arith.constant 0 : index
    %swap3A_297 = tpu.vector_load %arg15[%swap3A_295, %swap3A_296] {strides = array<i32>} : memref<5x128xf32, #tpu.memory_space<vmem>>, vector<16xf32>,
    tpu.vector_store %arg15[%swap3A_295, %swap3A_296], %gather3A_293 {strides = array<i32>} : memref<5x128xf32, #tpu.memory_space<vmem>>, vector<16xf32>,
    %add3A_298 = arith.constant 64 : i32
    %add3A_299 = vector.broadcast %add3A_298 : i32 to vector<16xi32>
    %add3A_300 = arith.addi %iota3A, %add3A_299 : vector<16xi32>
    %gather3A_301 = tpu.vector_load_idx %arg14[%add3A_300, %broadcast_in_dim3A_219] : memref<80x16xf32, #tpu.memory_space<vmem>>[vector<16xi32>, vector<16xi32>], vector<16xf32>,
    %swap3A_302 = arith.constant 1 : i32
    %swap3A_303 = arith.index_cast %swap3A_302 : i32 to index
    %swap3A_304 = arith.constant 16 : index
    %swap3A_305 = tpu.vector_load %arg15[%swap3A_303, %swap3A_304] {strides = array<i32>} : memref<5x128xf32, #tpu.memory_space<vmem>>, vector<16xf32>,
    tpu.vector_store %arg15[%swap3A_303, %swap3A_304], %gather3A_301 {strides = array<i32>} : memref<5x128xf32, #tpu.memory_space<vmem>>, vector<16xf32>,
    %mul3A_306 = arith.constant 640 : i32
    %mul3A_307 = arith.muli %arg1, %mul3A_306 : i32
    %add3A_308 = arith.constant 160 : i32
    %add3A_309 = arith.addi %mul3A_307, %add3A_308 : i32
    "tpu.region"() ({
      %run_scoped3A = tpu.sem_alloc : memref<!tpu.dma_semaphore, #tpu.memory_space<semaphore_mem>>
      %dma_start3A_572 = arith.constant 0 : i32
      %dma_start3A_573 = tpu.memref_slice %arg17[%add3A_309, %dma_start3A_572] : memref<10240x16xf32, #tpu.memory_space<vmem_shared>> -> memref<80x16xf32, #tpu.memory_space<vmem_shared>>
      %dma_start3A_574 = arith.constant 0 : i32
      %dma_start3A_575 = tpu.memref_slice %arg17[%add3A_309, %dma_start3A_574] : memref<10240x16xf32, #tpu.memory_space<vmem_shared>> -> memref<80x16xf32, #tpu.memory_space<vmem_shared>>
      tpu.enqueue_dma source(%dma_start3A_575 : memref<80x16xf32, #tpu.memory_space<vmem_shared>>) target(%arg14 : memref<80x16xf32, #tpu.memory_space<vmem>>) target_semaphore(%run_scoped3A : memref<!tpu.dma_semaphore, #tpu.memory_space<semaphore_mem>>)
      %dma_wait3A_576 = arith.constant 0 : i32
      %dma_wait3A_577 = tpu.memref_slice %arg17[%add3A_309, %dma_wait3A_576] : memref<10240x16xf32, #tpu.memory_space<vmem_shared>> -> memref<80x16xf32, #tpu.memory_space<vmem_shared>>
      %dma_wait3A_578 = arith.constant 0 : i32
      %dma_wait3A_579 = tpu.memref_slice %arg17[%add3A_309, %dma_wait3A_578] : memref<10240x16xf32, #tpu.memory_space<vmem_shared>> -> memref<80x16xf32, #tpu.memory_space<vmem_shared>>
      tpu.wait_dma2 semaphore(%run_scoped3A : memref<!tpu.dma_semaphore, #tpu.memory_space<semaphore_mem>>) src(%dma_wait3A_579 : memref<80x16xf32, #tpu.memory_space<vmem_shared>>) dst(%arg14 : memref<80x16xf32, #tpu.memory_space<vmem>>)
      tpu.yield
    }) : () -> ()
    %add3A_310 = arith.constant 0 : i32
    %add3A_311 = vector.broadcast %add3A_310 : i32 to vector<16xi32>
    %add3A_312 = arith.addi %iota3A, %add3A_311 : vector<16xi32>
    %gather3A_313 = tpu.vector_load_idx %arg14[%add3A_312, %broadcast_in_dim3A_219] : memref<80x16xf32, #tpu.memory_space<vmem>>[vector<16xi32>, vector<16xi32>], vector<16xf32>,
    %swap3A_314 = arith.constant 1 : i32
    %swap3A_315 = arith.index_cast %swap3A_314 : i32 to index
    %swap3A_316 = arith.constant 32 : index
    %swap3A_317 = tpu.vector_load %arg15[%swap3A_315, %swap3A_316] {strides = array<i32>} : memref<5x128xf32, #tpu.memory_space<vmem>>, vector<16xf32>,
    tpu.vector_store %arg15[%swap3A_315, %swap3A_316], %gather3A_313 {strides = array<i32>} : memref<5x128xf32, #tpu.memory_space<vmem>>, vector<16xf32>,
    %add3A_318 = arith.constant 16 : i32
    %add3A_319 = vector.broadcast %add3A_318 : i32 to vector<16xi32>
    %add3A_320 = arith.addi %iota3A, %add3A_319 : vector<16xi32>
    %gather3A_321 = tpu.vector_load_idx %arg14[%add3A_320, %broadcast_in_dim3A_219] : memref<80x16xf32, #tpu.memory_space<vmem>>[vector<16xi32>, vector<16xi32>], vector<16xf32>,
    %swap3A_322 = arith.constant 1 : i32
    %swap3A_323 = arith.index_cast %swap3A_322 : i32 to index
    %swap3A_324 = arith.constant 48 : index
    %swap3A_325 = tpu.vector_load %arg15[%swap3A_323, %swap3A_324] {strides = array<i32>} : memref<5x128xf32, #tpu.memory_space<vmem>>, vector<16xf32>,
    tpu.vector_store %arg15[%swap3A_323, %swap3A_324], %gather3A_321 {strides = array<i32>} : memref<5x128xf32, #tpu.memory_space<vmem>>, vector<16xf32>,
    %add3A_326 = arith.constant 32 : i32
    %add3A_327 = vector.broadcast %add3A_326 : i32 to vector<16xi32>
    %add3A_328 = arith.addi %iota3A, %add3A_327 : vector<16xi32>
    %gather3A_329 = tpu.vector_load_idx %arg14[%add3A_328, %broadcast_in_dim3A_219] : memref<80x16xf32, #tpu.memory_space<vmem>>[vector<16xi32>, vector<16xi32>], vector<16xf32>,
    %swap3A_330 = arith.constant 1 : i32
    %swap3A_331 = arith.index_cast %swap3A_330 : i32 to index
    %swap3A_332 = arith.constant 64 : index
    %swap3A_333 = tpu.vector_load %arg15[%swap3A_331, %swap3A_332] {strides = array<i32>} : memref<5x128xf32, #tpu.memory_space<vmem>>, vector<16xf32>,
    tpu.vector_store %arg15[%swap3A_331, %swap3A_332], %gather3A_329 {strides = array<i32>} : memref<5x128xf32, #tpu.memory_space<vmem>>, vector<16xf32>,
    %add3A_334 = arith.constant 48 : i32
    %add3A_335 = vector.broadcast %add3A_334 : i32 to vector<16xi32>
    %add3A_336 = arith.addi %iota3A, %add3A_335 : vector<16xi32>
    %gather3A_337 = tpu.vector_load_idx %arg14[%add3A_336, %broadcast_in_dim3A_219] : memref<80x16xf32, #tpu.memory_space<vmem>>[vector<16xi32>, vector<16xi32>], vector<16xf32>,
    %swap3A_338 = arith.constant 1 : i32
    %swap3A_339 = arith.index_cast %swap3A_338 : i32 to index
    %swap3A_340 = arith.constant 80 : index
    %swap3A_341 = tpu.vector_load %arg15[%swap3A_339, %swap3A_340] {strides = array<i32>} : memref<5x128xf32, #tpu.memory_space<vmem>>, vector<16xf32>,
    tpu.vector_store %arg15[%swap3A_339, %swap3A_340], %gather3A_337 {strides = array<i32>} : memref<5x128xf32, #tpu.memory_space<vmem>>, vector<16xf32>,
    %add3A_342 = arith.constant 64 : i32
    %add3A_343 = vector.broadcast %add3A_342 : i32 to vector<16xi32>
    %add3A_344 = arith.addi %iota3A, %add3A_343 : vector<16xi32>
    %gather3A_345 = tpu.vector_load_idx %arg14[%add3A_344, %broadcast_in_dim3A_219] : memref<80x16xf32, #tpu.memory_space<vmem>>[vector<16xi32>, vector<16xi32>], vector<16xf32>,
    %swap3A_346 = arith.constant 1 : i32
    %swap3A_347 = arith.index_cast %swap3A_346 : i32 to index
    %swap3A_348 = arith.constant 96 : index
    %swap3A_349 = tpu.vector_load %arg15[%swap3A_347, %swap3A_348] {strides = array<i32>} : memref<5x128xf32, #tpu.memory_space<vmem>>, vector<16xf32>,
    tpu.vector_store %arg15[%swap3A_347, %swap3A_348], %gather3A_345 {strides = array<i32>} : memref<5x128xf32, #tpu.memory_space<vmem>>, vector<16xf32>,
    %mul3A_350 = arith.constant 640 : i32
    %mul3A_351 = arith.muli %arg1, %mul3A_350 : i32
    %add3A_352 = arith.constant 240 : i32
    %add3A_353 = arith.addi %mul3A_351, %add3A_352 : i32
    "tpu.region"() ({
      %run_scoped3A = tpu.sem_alloc : memref<!tpu.dma_semaphore, #tpu.memory_space<semaphore_mem>>
      %dma_start3A_572 = arith.constant 0 : i32
      %dma_start3A_573 = tpu.memref_slice %arg17[%add3A_353, %dma_start3A_572] : memref<10240x16xf32, #tpu.memory_space<vmem_shared>> -> memref<80x16xf32, #tpu.memory_space<vmem_shared>>
      %dma_start3A_574 = arith.constant 0 : i32
      %dma_start3A_575 = tpu.memref_slice %arg17[%add3A_353, %dma_start3A_574] : memref<10240x16xf32, #tpu.memory_space<vmem_shared>> -> memref<80x16xf32, #tpu.memory_space<vmem_shared>>
      tpu.enqueue_dma source(%dma_start3A_575 : memref<80x16xf32, #tpu.memory_space<vmem_shared>>) target(%arg14 : memref<80x16xf32, #tpu.memory_space<vmem>>) target_semaphore(%run_scoped3A : memref<!tpu.dma_semaphore, #tpu.memory_space<semaphore_mem>>)
      %dma_wait3A_576 = arith.constant 0 : i32
      %dma_wait3A_577 = tpu.memref_slice %arg17[%add3A_353, %dma_wait3A_576] : memref<10240x16xf32, #tpu.memory_space<vmem_shared>> -> memref<80x16xf32, #tpu.memory_space<vmem_shared>>
      %dma_wait3A_578 = arith.constant 0 : i32
      %dma_wait3A_579 = tpu.memref_slice %arg17[%add3A_353, %dma_wait3A_578] : memref<10240x16xf32, #tpu.memory_space<vmem_shared>> -> memref<80x16xf32, #tpu.memory_space<vmem_shared>>
      tpu.wait_dma2 semaphore(%run_scoped3A : memref<!tpu.dma_semaphore, #tpu.memory_space<semaphore_mem>>) src(%dma_wait3A_579 : memref<80x16xf32, #tpu.memory_space<vmem_shared>>) dst(%arg14 : memref<80x16xf32, #tpu.memory_space<vmem>>)
      tpu.yield
    }) : () -> ()
    %add3A_354 = arith.constant 0 : i32
    %add3A_355 = vector.broadcast %add3A_354 : i32 to vector<16xi32>
    %add3A_356 = arith.addi %iota3A, %add3A_355 : vector<16xi32>
    %gather3A_357 = tpu.vector_load_idx %arg14[%add3A_356, %broadcast_in_dim3A_219] : memref<80x16xf32, #tpu.memory_space<vmem>>[vector<16xi32>, vector<16xi32>], vector<16xf32>,
    %swap3A_358 = arith.constant 1 : i32
    %swap3A_359 = arith.index_cast %swap3A_358 : i32 to index
    %swap3A_360 = arith.constant 112 : index
    %swap3A_361 = tpu.vector_load %arg15[%swap3A_359, %swap3A_360] {strides = array<i32>} : memref<5x128xf32, #tpu.memory_space<vmem>>, vector<16xf32>,
    tpu.vector_store %arg15[%swap3A_359, %swap3A_360], %gather3A_357 {strides = array<i32>} : memref<5x128xf32, #tpu.memory_space<vmem>>, vector<16xf32>,
    %add3A_362 = arith.constant 16 : i32
    %add3A_363 = vector.broadcast %add3A_362 : i32 to vector<16xi32>
    %add3A_364 = arith.addi %iota3A, %add3A_363 : vector<16xi32>
    %gather3A_365 = tpu.vector_load_idx %arg14[%add3A_364, %broadcast_in_dim3A_219] : memref<80x16xf32, #tpu.memory_space<vmem>>[vector<16xi32>, vector<16xi32>], vector<16xf32>,
    %swap3A_366 = arith.constant 2 : i32
    %swap3A_367 = arith.index_cast %swap3A_366 : i32 to index
    %swap3A_368 = arith.constant 0 : index
    %swap3A_369 = tpu.vector_load %arg15[%swap3A_367, %swap3A_368] {strides = array<i32>} : memref<5x128xf32, #tpu.memory_space<vmem>>, vector<16xf32>,
    tpu.vector_store %arg15[%swap3A_367, %swap3A_368], %gather3A_365 {strides = array<i32>} : memref<5x128xf32, #tpu.memory_space<vmem>>, vector<16xf32>,
    %add3A_370 = arith.constant 32 : i32
    %add3A_371 = vector.broadcast %add3A_370 : i32 to vector<16xi32>
    %add3A_372 = arith.addi %iota3A, %add3A_371 : vector<16xi32>
    %gather3A_373 = tpu.vector_load_idx %arg14[%add3A_372, %broadcast_in_dim3A_219] : memref<80x16xf32, #tpu.memory_space<vmem>>[vector<16xi32>, vector<16xi32>], vector<16xf32>,
    %swap3A_374 = arith.constant 2 : i32
    %swap3A_375 = arith.index_cast %swap3A_374 : i32 to index
    %swap3A_376 = arith.constant 16 : index
    %swap3A_377 = tpu.vector_load %arg15[%swap3A_375, %swap3A_376] {strides = array<i32>} : memref<5x128xf32, #tpu.memory_space<vmem>>, vector<16xf32>,
    tpu.vector_store %arg15[%swap3A_375, %swap3A_376], %gather3A_373 {strides = array<i32>} : memref<5x128xf32, #tpu.memory_space<vmem>>, vector<16xf32>,
    %add3A_378 = arith.constant 48 : i32
    %add3A_379 = vector.broadcast %add3A_378 : i32 to vector<16xi32>
    %add3A_380 = arith.addi %iota3A, %add3A_379 : vector<16xi32>
    %gather3A_381 = tpu.vector_load_idx %arg14[%add3A_380, %broadcast_in_dim3A_219] : memref<80x16xf32, #tpu.memory_space<vmem>>[vector<16xi32>, vector<16xi32>], vector<16xf32>,
    %swap3A_382 = arith.constant 2 : i32
    %swap3A_383 = arith.index_cast %swap3A_382 : i32 to index
    %swap3A_384 = arith.constant 32 : index
    %swap3A_385 = tpu.vector_load %arg15[%swap3A_383, %swap3A_384] {strides = array<i32>} : memref<5x128xf32, #tpu.memory_space<vmem>>, vector<16xf32>,
    tpu.vector_store %arg15[%swap3A_383, %swap3A_384], %gather3A_381 {strides = array<i32>} : memref<5x128xf32, #tpu.memory_space<vmem>>, vector<16xf32>,
    %add3A_386 = arith.constant 64 : i32
    %add3A_387 = vector.broadcast %add3A_386 : i32 to vector<16xi32>
    %add3A_388 = arith.addi %iota3A, %add3A_387 : vector<16xi32>
    %gather3A_389 = tpu.vector_load_idx %arg14[%add3A_388, %broadcast_in_dim3A_219] : memref<80x16xf32, #tpu.memory_space<vmem>>[vector<16xi32>, vector<16xi32>], vector<16xf32>,
    %swap3A_390 = arith.constant 2 : i32
    %swap3A_391 = arith.index_cast %swap3A_390 : i32 to index
    %swap3A_392 = arith.constant 48 : index
    %swap3A_393 = tpu.vector_load %arg15[%swap3A_391, %swap3A_392] {strides = array<i32>} : memref<5x128xf32, #tpu.memory_space<vmem>>, vector<16xf32>,
    tpu.vector_store %arg15[%swap3A_391, %swap3A_392], %gather3A_389 {strides = array<i32>} : memref<5x128xf32, #tpu.memory_space<vmem>>, vector<16xf32>,
    %mul3A_394 = arith.constant 640 : i32
    %mul3A_395 = arith.muli %arg1, %mul3A_394 : i32
    %add3A_396 = arith.constant 320 : i32
    %add3A_397 = arith.addi %mul3A_395, %add3A_396 : i32
    "tpu.region"() ({
      %run_scoped3A = tpu.sem_alloc : memref<!tpu.dma_semaphore, #tpu.memory_space<semaphore_mem>>
      %dma_start3A_572 = arith.constant 0 : i32
      %dma_start3A_573 = tpu.memref_slice %arg17[%add3A_397, %dma_start3A_572] : memref<10240x16xf32, #tpu.memory_space<vmem_shared>> -> memref<80x16xf32, #tpu.memory_space<vmem_shared>>
      %dma_start3A_574 = arith.constant 0 : i32
      %dma_start3A_575 = tpu.memref_slice %arg17[%add3A_397, %dma_start3A_574] : memref<10240x16xf32, #tpu.memory_space<vmem_shared>> -> memref<80x16xf32, #tpu.memory_space<vmem_shared>>
      tpu.enqueue_dma source(%dma_start3A_575 : memref<80x16xf32, #tpu.memory_space<vmem_shared>>) target(%arg14 : memref<80x16xf32, #tpu.memory_space<vmem>>) target_semaphore(%run_scoped3A : memref<!tpu.dma_semaphore, #tpu.memory_space<semaphore_mem>>)
      %dma_wait3A_576 = arith.constant 0 : i32
      %dma_wait3A_577 = tpu.memref_slice %arg17[%add3A_397, %dma_wait3A_576] : memref<10240x16xf32, #tpu.memory_space<vmem_shared>> -> memref<80x16xf32, #tpu.memory_space<vmem_shared>>
      %dma_wait3A_578 = arith.constant 0 : i32
      %dma_wait3A_579 = tpu.memref_slice %arg17[%add3A_397, %dma_wait3A_578] : memref<10240x16xf32, #tpu.memory_space<vmem_shared>> -> memref<80x16xf32, #tpu.memory_space<vmem_shared>>
      tpu.wait_dma2 semaphore(%run_scoped3A : memref<!tpu.dma_semaphore, #tpu.memory_space<semaphore_mem>>) src(%dma_wait3A_579 : memref<80x16xf32, #tpu.memory_space<vmem_shared>>) dst(%arg14 : memref<80x16xf32, #tpu.memory_space<vmem>>)
      tpu.yield
    }) : () -> ()
    %add3A_398 = arith.constant 0 : i32
    %add3A_399 = vector.broadcast %add3A_398 : i32 to vector<16xi32>
    %add3A_400 = arith.addi %iota3A, %add3A_399 : vector<16xi32>
    %gather3A_401 = tpu.vector_load_idx %arg14[%add3A_400, %broadcast_in_dim3A_219] : memref<80x16xf32, #tpu.memory_space<vmem>>[vector<16xi32>, vector<16xi32>], vector<16xf32>,
    %swap3A_402 = arith.constant 2 : i32
    %swap3A_403 = arith.index_cast %swap3A_402 : i32 to index
    %swap3A_404 = arith.constant 64 : index
    %swap3A_405 = tpu.vector_load %arg15[%swap3A_403, %swap3A_404] {strides = array<i32>} : memref<5x128xf32, #tpu.memory_space<vmem>>, vector<16xf32>,
    tpu.vector_store %arg15[%swap3A_403, %swap3A_404], %gather3A_401 {strides = array<i32>} : memref<5x128xf32, #tpu.memory_space<vmem>>, vector<16xf32>,
    %add3A_406 = arith.constant 16 : i32
    %add3A_407 = vector.broadcast %add3A_406 : i32 to vector<16xi32>
    %add3A_408 = arith.addi %iota3A, %add3A_407 : vector<16xi32>
    %gather3A_409 = tpu.vector_load_idx %arg14[%add3A_408, %broadcast_in_dim3A_219] : memref<80x16xf32, #tpu.memory_space<vmem>>[vector<16xi32>, vector<16xi32>], vector<16xf32>,
    %swap3A_410 = arith.constant 2 : i32
    %swap3A_411 = arith.index_cast %swap3A_410 : i32 to index
    %swap3A_412 = arith.constant 80 : index
    %swap3A_413 = tpu.vector_load %arg15[%swap3A_411, %swap3A_412] {strides = array<i32>} : memref<5x128xf32, #tpu.memory_space<vmem>>, vector<16xf32>,
    tpu.vector_store %arg15[%swap3A_411, %swap3A_412], %gather3A_409 {strides = array<i32>} : memref<5x128xf32, #tpu.memory_space<vmem>>, vector<16xf32>,
    %add3A_414 = arith.constant 32 : i32
    %add3A_415 = vector.broadcast %add3A_414 : i32 to vector<16xi32>
    %add3A_416 = arith.addi %iota3A, %add3A_415 : vector<16xi32>
    %gather3A_417 = tpu.vector_load_idx %arg14[%add3A_416, %broadcast_in_dim3A_219] : memref<80x16xf32, #tpu.memory_space<vmem>>[vector<16xi32>, vector<16xi32>], vector<16xf32>,
    %swap3A_418 = arith.constant 2 : i32
    %swap3A_419 = arith.index_cast %swap3A_418 : i32 to index
    %swap3A_420 = arith.constant 96 : index
    %swap3A_421 = tpu.vector_load %arg15[%swap3A_419, %swap3A_420] {strides = array<i32>} : memref<5x128xf32, #tpu.memory_space<vmem>>, vector<16xf32>,
    tpu.vector_store %arg15[%swap3A_419, %swap3A_420], %gather3A_417 {strides = array<i32>} : memref<5x128xf32, #tpu.memory_space<vmem>>, vector<16xf32>,
    %add3A_422 = arith.constant 48 : i32
    %add3A_423 = vector.broadcast %add3A_422 : i32 to vector<16xi32>
    %add3A_424 = arith.addi %iota3A, %add3A_423 : vector<16xi32>
    %gather3A_425 = tpu.vector_load_idx %arg14[%add3A_424, %broadcast_in_dim3A_219] : memref<80x16xf32, #tpu.memory_space<vmem>>[vector<16xi32>, vector<16xi32>], vector<16xf32>,
    %swap3A_426 = arith.constant 2 : i32
    %swap3A_427 = arith.index_cast %swap3A_426 : i32 to index
    %swap3A_428 = arith.constant 112 : index
    %swap3A_429 = tpu.vector_load %arg15[%swap3A_427, %swap3A_428] {strides = array<i32>} : memref<5x128xf32, #tpu.memory_space<vmem>>, vector<16xf32>,
    tpu.vector_store %arg15[%swap3A_427, %swap3A_428], %gather3A_425 {strides = array<i32>} : memref<5x128xf32, #tpu.memory_space<vmem>>, vector<16xf32>,
    %add3A_430 = arith.constant 64 : i32
    %add3A_431 = vector.broadcast %add3A_430 : i32 to vector<16xi32>
    %add3A_432 = arith.addi %iota3A, %add3A_431 : vector<16xi32>
    %gather3A_433 = tpu.vector_load_idx %arg14[%add3A_432, %broadcast_in_dim3A_219] : memref<80x16xf32, #tpu.memory_space<vmem>>[vector<16xi32>, vector<16xi32>], vector<16xf32>,
    %swap3A_434 = arith.constant 3 : i32
    %swap3A_435 = arith.index_cast %swap3A_434 : i32 to index
    %swap3A_436 = arith.constant 0 : index
    %swap3A_437 = tpu.vector_load %arg15[%swap3A_435, %swap3A_436] {strides = array<i32>} : memref<5x128xf32, #tpu.memory_space<vmem>>, vector<16xf32>,
    tpu.vector_store %arg15[%swap3A_435, %swap3A_436], %gather3A_433 {strides = array<i32>} : memref<5x128xf32, #tpu.memory_space<vmem>>, vector<16xf32>,
    %mul3A_438 = arith.constant 640 : i32
    %mul3A_439 = arith.muli %arg1, %mul3A_438 : i32
    %add3A_440 = arith.constant 400 : i32
    %add3A_441 = arith.addi %mul3A_439, %add3A_440 : i32
    "tpu.region"() ({
      %run_scoped3A = tpu.sem_alloc : memref<!tpu.dma_semaphore, #tpu.memory_space<semaphore_mem>>
      %dma_start3A_572 = arith.constant 0 : i32
      %dma_start3A_573 = tpu.memref_slice %arg17[%add3A_441, %dma_start3A_572] : memref<10240x16xf32, #tpu.memory_space<vmem_shared>> -> memref<80x16xf32, #tpu.memory_space<vmem_shared>>
      %dma_start3A_574 = arith.constant 0 : i32
      %dma_start3A_575 = tpu.memref_slice %arg17[%add3A_441, %dma_start3A_574] : memref<10240x16xf32, #tpu.memory_space<vmem_shared>> -> memref<80x16xf32, #tpu.memory_space<vmem_shared>>
      tpu.enqueue_dma source(%dma_start3A_575 : memref<80x16xf32, #tpu.memory_space<vmem_shared>>) target(%arg14 : memref<80x16xf32, #tpu.memory_space<vmem>>) target_semaphore(%run_scoped3A : memref<!tpu.dma_semaphore, #tpu.memory_space<semaphore_mem>>)
      %dma_wait3A_576 = arith.constant 0 : i32
      %dma_wait3A_577 = tpu.memref_slice %arg17[%add3A_441, %dma_wait3A_576] : memref<10240x16xf32, #tpu.memory_space<vmem_shared>> -> memref<80x16xf32, #tpu.memory_space<vmem_shared>>
      %dma_wait3A_578 = arith.constant 0 : i32
      %dma_wait3A_579 = tpu.memref_slice %arg17[%add3A_441, %dma_wait3A_578] : memref<10240x16xf32, #tpu.memory_space<vmem_shared>> -> memref<80x16xf32, #tpu.memory_space<vmem_shared>>
      tpu.wait_dma2 semaphore(%run_scoped3A : memref<!tpu.dma_semaphore, #tpu.memory_space<semaphore_mem>>) src(%dma_wait3A_579 : memref<80x16xf32, #tpu.memory_space<vmem_shared>>) dst(%arg14 : memref<80x16xf32, #tpu.memory_space<vmem>>)
      tpu.yield
    }) : () -> ()
    %add3A_442 = arith.constant 0 : i32
    %add3A_443 = vector.broadcast %add3A_442 : i32 to vector<16xi32>
    %add3A_444 = arith.addi %iota3A, %add3A_443 : vector<16xi32>
    %gather3A_445 = tpu.vector_load_idx %arg14[%add3A_444, %broadcast_in_dim3A_219] : memref<80x16xf32, #tpu.memory_space<vmem>>[vector<16xi32>, vector<16xi32>], vector<16xf32>,
    %swap3A_446 = arith.constant 3 : i32
    %swap3A_447 = arith.index_cast %swap3A_446 : i32 to index
    %swap3A_448 = arith.constant 16 : index
    %swap3A_449 = tpu.vector_load %arg15[%swap3A_447, %swap3A_448] {strides = array<i32>} : memref<5x128xf32, #tpu.memory_space<vmem>>, vector<16xf32>,
    tpu.vector_store %arg15[%swap3A_447, %swap3A_448], %gather3A_445 {strides = array<i32>} : memref<5x128xf32, #tpu.memory_space<vmem>>, vector<16xf32>,
    %add3A_450 = arith.constant 16 : i32
    %add3A_451 = vector.broadcast %add3A_450 : i32 to vector<16xi32>
    %add3A_452 = arith.addi %iota3A, %add3A_451 : vector<16xi32>
    %gather3A_453 = tpu.vector_load_idx %arg14[%add3A_452, %broadcast_in_dim3A_219] : memref<80x16xf32, #tpu.memory_space<vmem>>[vector<16xi32>, vector<16xi32>], vector<16xf32>,
    %swap3A_454 = arith.constant 3 : i32
    %swap3A_455 = arith.index_cast %swap3A_454 : i32 to index
    %swap3A_456 = arith.constant 32 : index
    %swap3A_457 = tpu.vector_load %arg15[%swap3A_455, %swap3A_456] {strides = array<i32>} : memref<5x128xf32, #tpu.memory_space<vmem>>, vector<16xf32>,
    tpu.vector_store %arg15[%swap3A_455, %swap3A_456], %gather3A_453 {strides = array<i32>} : memref<5x128xf32, #tpu.memory_space<vmem>>, vector<16xf32>,
    %add3A_458 = arith.constant 32 : i32
    %add3A_459 = vector.broadcast %add3A_458 : i32 to vector<16xi32>
    %add3A_460 = arith.addi %iota3A, %add3A_459 : vector<16xi32>
    %gather3A_461 = tpu.vector_load_idx %arg14[%add3A_460, %broadcast_in_dim3A_219] : memref<80x16xf32, #tpu.memory_space<vmem>>[vector<16xi32>, vector<16xi32>], vector<16xf32>,
    %swap3A_462 = arith.constant 3 : i32
    %swap3A_463 = arith.index_cast %swap3A_462 : i32 to index
    %swap3A_464 = arith.constant 48 : index
    %swap3A_465 = tpu.vector_load %arg15[%swap3A_463, %swap3A_464] {strides = array<i32>} : memref<5x128xf32, #tpu.memory_space<vmem>>, vector<16xf32>,
    tpu.vector_store %arg15[%swap3A_463, %swap3A_464], %gather3A_461 {strides = array<i32>} : memref<5x128xf32, #tpu.memory_space<vmem>>, vector<16xf32>,
    %add3A_466 = arith.constant 48 : i32
    %add3A_467 = vector.broadcast %add3A_466 : i32 to vector<16xi32>
    %add3A_468 = arith.addi %iota3A, %add3A_467 : vector<16xi32>
    %gather3A_469 = tpu.vector_load_idx %arg14[%add3A_468, %broadcast_in_dim3A_219] : memref<80x16xf32, #tpu.memory_space<vmem>>[vector<16xi32>, vector<16xi32>], vector<16xf32>,
    %swap3A_470 = arith.constant 3 : i32
    %swap3A_471 = arith.index_cast %swap3A_470 : i32 to index
    %swap3A_472 = arith.constant 64 : index
    %swap3A_473 = tpu.vector_load %arg15[%swap3A_471, %swap3A_472] {strides = array<i32>} : memref<5x128xf32, #tpu.memory_space<vmem>>, vector<16xf32>,
    tpu.vector_store %arg15[%swap3A_471, %swap3A_472], %gather3A_469 {strides = array<i32>} : memref<5x128xf32, #tpu.memory_space<vmem>>, vector<16xf32>,
    %add3A_474 = arith.constant 64 : i32
    %add3A_475 = vector.broadcast %add3A_474 : i32 to vector<16xi32>
    %add3A_476 = arith.addi %iota3A, %add3A_475 : vector<16xi32>
    %gather3A_477 = tpu.vector_load_idx %arg14[%add3A_476, %broadcast_in_dim3A_219] : memref<80x16xf32, #tpu.memory_space<vmem>>[vector<16xi32>, vector<16xi32>], vector<16xf32>,
    %swap3A_478 = arith.constant 3 : i32
    %swap3A_479 = arith.index_cast %swap3A_478 : i32 to index
    %swap3A_480 = arith.constant 80 : index
    %swap3A_481 = tpu.vector_load %arg15[%swap3A_479, %swap3A_480] {strides = array<i32>} : memref<5x128xf32, #tpu.memory_space<vmem>>, vector<16xf32>,
    tpu.vector_store %arg15[%swap3A_479, %swap3A_480], %gather3A_477 {strides = array<i32>} : memref<5x128xf32, #tpu.memory_space<vmem>>, vector<16xf32>,
    %mul3A_482 = arith.constant 640 : i32
    %mul3A_483 = arith.muli %arg1, %mul3A_482 : i32
    %add3A_484 = arith.constant 480 : i32
    %add3A_485 = arith.addi %mul3A_483, %add3A_484 : i32
    "tpu.region"() ({
      %run_scoped3A = tpu.sem_alloc : memref<!tpu.dma_semaphore, #tpu.memory_space<semaphore_mem>>
      %dma_start3A_572 = arith.constant 0 : i32
      %dma_start3A_573 = tpu.memref_slice %arg17[%add3A_485, %dma_start3A_572] : memref<10240x16xf32, #tpu.memory_space<vmem_shared>> -> memref<80x16xf32, #tpu.memory_space<vmem_shared>>
      %dma_start3A_574 = arith.constant 0 : i32
      %dma_start3A_575 = tpu.memref_slice %arg17[%add3A_485, %dma_start3A_574] : memref<10240x16xf32, #tpu.memory_space<vmem_shared>> -> memref<80x16xf32, #tpu.memory_space<vmem_shared>>
      tpu.enqueue_dma source(%dma_start3A_575 : memref<80x16xf32, #tpu.memory_space<vmem_shared>>) target(%arg14 : memref<80x16xf32, #tpu.memory_space<vmem>>) target_semaphore(%run_scoped3A : memref<!tpu.dma_semaphore, #tpu.memory_space<semaphore_mem>>)
      %dma_wait3A_576 = arith.constant 0 : i32
      %dma_wait3A_577 = tpu.memref_slice %arg17[%add3A_485, %dma_wait3A_576] : memref<10240x16xf32, #tpu.memory_space<vmem_shared>> -> memref<80x16xf32, #tpu.memory_space<vmem_shared>>
      %dma_wait3A_578 = arith.constant 0 : i32
      %dma_wait3A_579 = tpu.memref_slice %arg17[%add3A_485, %dma_wait3A_578] : memref<10240x16xf32, #tpu.memory_space<vmem_shared>> -> memref<80x16xf32, #tpu.memory_space<vmem_shared>>
      tpu.wait_dma2 semaphore(%run_scoped3A : memref<!tpu.dma_semaphore, #tpu.memory_space<semaphore_mem>>) src(%dma_wait3A_579 : memref<80x16xf32, #tpu.memory_space<vmem_shared>>) dst(%arg14 : memref<80x16xf32, #tpu.memory_space<vmem>>)
      tpu.yield
    }) : () -> ()
    %add3A_486 = arith.constant 0 : i32
    %add3A_487 = vector.broadcast %add3A_486 : i32 to vector<16xi32>
    %add3A_488 = arith.addi %iota3A, %add3A_487 : vector<16xi32>
    %gather3A_489 = tpu.vector_load_idx %arg14[%add3A_488, %broadcast_in_dim3A_219] : memref<80x16xf32, #tpu.memory_space<vmem>>[vector<16xi32>, vector<16xi32>], vector<16xf32>,
    %swap3A_490 = arith.constant 3 : i32
    %swap3A_491 = arith.index_cast %swap3A_490 : i32 to index
    %swap3A_492 = arith.constant 96 : index
    %swap3A_493 = tpu.vector_load %arg15[%swap3A_491, %swap3A_492] {strides = array<i32>} : memref<5x128xf32, #tpu.memory_space<vmem>>, vector<16xf32>,
    tpu.vector_store %arg15[%swap3A_491, %swap3A_492], %gather3A_489 {strides = array<i32>} : memref<5x128xf32, #tpu.memory_space<vmem>>, vector<16xf32>,
    %add3A_494 = arith.constant 16 : i32
    %add3A_495 = vector.broadcast %add3A_494 : i32 to vector<16xi32>
    %add3A_496 = arith.addi %iota3A, %add3A_495 : vector<16xi32>
    %gather3A_497 = tpu.vector_load_idx %arg14[%add3A_496, %broadcast_in_dim3A_219] : memref<80x16xf32, #tpu.memory_space<vmem>>[vector<16xi32>, vector<16xi32>], vector<16xf32>,
    %swap3A_498 = arith.constant 3 : i32
    %swap3A_499 = arith.index_cast %swap3A_498 : i32 to index
    %swap3A_500 = arith.constant 112 : index
    %swap3A_501 = tpu.vector_load %arg15[%swap3A_499, %swap3A_500] {strides = array<i32>} : memref<5x128xf32, #tpu.memory_space<vmem>>, vector<16xf32>,
    tpu.vector_store %arg15[%swap3A_499, %swap3A_500], %gather3A_497 {strides = array<i32>} : memref<5x128xf32, #tpu.memory_space<vmem>>, vector<16xf32>,
    %add3A_502 = arith.constant 32 : i32
    %add3A_503 = vector.broadcast %add3A_502 : i32 to vector<16xi32>
    %add3A_504 = arith.addi %iota3A, %add3A_503 : vector<16xi32>
    %gather3A_505 = tpu.vector_load_idx %arg14[%add3A_504, %broadcast_in_dim3A_219] : memref<80x16xf32, #tpu.memory_space<vmem>>[vector<16xi32>, vector<16xi32>], vector<16xf32>,
    %swap3A_506 = arith.constant 4 : i32
    %swap3A_507 = arith.index_cast %swap3A_506 : i32 to index
    %swap3A_508 = arith.constant 0 : index
    %swap3A_509 = tpu.vector_load %arg15[%swap3A_507, %swap3A_508] {strides = array<i32>} : memref<5x128xf32, #tpu.memory_space<vmem>>, vector<16xf32>,
    tpu.vector_store %arg15[%swap3A_507, %swap3A_508], %gather3A_505 {strides = array<i32>} : memref<5x128xf32, #tpu.memory_space<vmem>>, vector<16xf32>,
    %add3A_510 = arith.constant 48 : i32
    %add3A_511 = vector.broadcast %add3A_510 : i32 to vector<16xi32>
    %add3A_512 = arith.addi %iota3A, %add3A_511 : vector<16xi32>
    %gather3A_513 = tpu.vector_load_idx %arg14[%add3A_512, %broadcast_in_dim3A_219] : memref<80x16xf32, #tpu.memory_space<vmem>>[vector<16xi32>, vector<16xi32>], vector<16xf32>,
    %swap3A_514 = arith.constant 4 : i32
    %swap3A_515 = arith.index_cast %swap3A_514 : i32 to index
    %swap3A_516 = arith.constant 16 : index
    %swap3A_517 = tpu.vector_load %arg15[%swap3A_515, %swap3A_516] {strides = array<i32>} : memref<5x128xf32, #tpu.memory_space<vmem>>, vector<16xf32>,
    tpu.vector_store %arg15[%swap3A_515, %swap3A_516], %gather3A_513 {strides = array<i32>} : memref<5x128xf32, #tpu.memory_space<vmem>>, vector<16xf32>,
    %add3A_518 = arith.constant 64 : i32
    %add3A_519 = vector.broadcast %add3A_518 : i32 to vector<16xi32>
    %add3A_520 = arith.addi %iota3A, %add3A_519 : vector<16xi32>
    %gather3A_521 = tpu.vector_load_idx %arg14[%add3A_520, %broadcast_in_dim3A_219] : memref<80x16xf32, #tpu.memory_space<vmem>>[vector<16xi32>, vector<16xi32>], vector<16xf32>,
    %swap3A_522 = arith.constant 4 : i32
    %swap3A_523 = arith.index_cast %swap3A_522 : i32 to index
    %swap3A_524 = arith.constant 32 : index
    %swap3A_525 = tpu.vector_load %arg15[%swap3A_523, %swap3A_524] {strides = array<i32>} : memref<5x128xf32, #tpu.memory_space<vmem>>, vector<16xf32>,
    tpu.vector_store %arg15[%swap3A_523, %swap3A_524], %gather3A_521 {strides = array<i32>} : memref<5x128xf32, #tpu.memory_space<vmem>>, vector<16xf32>,
    %mul3A_526 = arith.constant 640 : i32
    %mul3A_527 = arith.muli %arg1, %mul3A_526 : i32
    %add3A_528 = arith.constant 560 : i32
    %add3A_529 = arith.addi %mul3A_527, %add3A_528 : i32
    "tpu.region"() ({
      %run_scoped3A = tpu.sem_alloc : memref<!tpu.dma_semaphore, #tpu.memory_space<semaphore_mem>>
      %dma_start3A_572 = arith.constant 0 : i32
      %dma_start3A_573 = tpu.memref_slice %arg17[%add3A_529, %dma_start3A_572] : memref<10240x16xf32, #tpu.memory_space<vmem_shared>> -> memref<80x16xf32, #tpu.memory_space<vmem_shared>>
      %dma_start3A_574 = arith.constant 0 : i32
      %dma_start3A_575 = tpu.memref_slice %arg17[%add3A_529, %dma_start3A_574] : memref<10240x16xf32, #tpu.memory_space<vmem_shared>> -> memref<80x16xf32, #tpu.memory_space<vmem_shared>>
      tpu.enqueue_dma source(%dma_start3A_575 : memref<80x16xf32, #tpu.memory_space<vmem_shared>>) target(%arg14 : memref<80x16xf32, #tpu.memory_space<vmem>>) target_semaphore(%run_scoped3A : memref<!tpu.dma_semaphore, #tpu.memory_space<semaphore_mem>>)
      %dma_wait3A_576 = arith.constant 0 : i32
      %dma_wait3A_577 = tpu.memref_slice %arg17[%add3A_529, %dma_wait3A_576] : memref<10240x16xf32, #tpu.memory_space<vmem_shared>> -> memref<80x16xf32, #tpu.memory_space<vmem_shared>>
      %dma_wait3A_578 = arith.constant 0 : i32
      %dma_wait3A_579 = tpu.memref_slice %arg17[%add3A_529, %dma_wait3A_578] : memref<10240x16xf32, #tpu.memory_space<vmem_shared>> -> memref<80x16xf32, #tpu.memory_space<vmem_shared>>
      tpu.wait_dma2 semaphore(%run_scoped3A : memref<!tpu.dma_semaphore, #tpu.memory_space<semaphore_mem>>) src(%dma_wait3A_579 : memref<80x16xf32, #tpu.memory_space<vmem_shared>>) dst(%arg14 : memref<80x16xf32, #tpu.memory_space<vmem>>)
      tpu.yield
    }) : () -> ()
    %add3A_530 = arith.constant 0 : i32
    %add3A_531 = vector.broadcast %add3A_530 : i32 to vector<16xi32>
    %add3A_532 = arith.addi %iota3A, %add3A_531 : vector<16xi32>
    %gather3A_533 = tpu.vector_load_idx %arg14[%add3A_532, %broadcast_in_dim3A_219] : memref<80x16xf32, #tpu.memory_space<vmem>>[vector<16xi32>, vector<16xi32>], vector<16xf32>,
    %swap3A_534 = arith.constant 4 : i32
    %swap3A_535 = arith.index_cast %swap3A_534 : i32 to index
    %swap3A_536 = arith.constant 48 : index
    %swap3A_537 = tpu.vector_load %arg15[%swap3A_535, %swap3A_536] {strides = array<i32>} : memref<5x128xf32, #tpu.memory_space<vmem>>, vector<16xf32>,
    tpu.vector_store %arg15[%swap3A_535, %swap3A_536], %gather3A_533 {strides = array<i32>} : memref<5x128xf32, #tpu.memory_space<vmem>>, vector<16xf32>,
    %add3A_538 = arith.constant 16 : i32
    %add3A_539 = vector.broadcast %add3A_538 : i32 to vector<16xi32>
    %add3A_540 = arith.addi %iota3A, %add3A_539 : vector<16xi32>
    %gather3A_541 = tpu.vector_load_idx %arg14[%add3A_540, %broadcast_in_dim3A_219] : memref<80x16xf32, #tpu.memory_space<vmem>>[vector<16xi32>, vector<16xi32>], vector<16xf32>,
    %swap3A_542 = arith.constant 4 : i32
    %swap3A_543 = arith.index_cast %swap3A_542 : i32 to index
    %swap3A_544 = arith.constant 64 : index
    %swap3A_545 = tpu.vector_load %arg15[%swap3A_543, %swap3A_544] {strides = array<i32>} : memref<5x128xf32, #tpu.memory_space<vmem>>, vector<16xf32>,
    tpu.vector_store %arg15[%swap3A_543, %swap3A_544], %gather3A_541 {strides = array<i32>} : memref<5x128xf32, #tpu.memory_space<vmem>>, vector<16xf32>,
    %add3A_546 = arith.constant 32 : i32
    %add3A_547 = vector.broadcast %add3A_546 : i32 to vector<16xi32>
    %add3A_548 = arith.addi %iota3A, %add3A_547 : vector<16xi32>
    %gather3A_549 = tpu.vector_load_idx %arg14[%add3A_548, %broadcast_in_dim3A_219] : memref<80x16xf32, #tpu.memory_space<vmem>>[vector<16xi32>, vector<16xi32>], vector<16xf32>,
    %swap3A_550 = arith.constant 4 : i32
    %swap3A_551 = arith.index_cast %swap3A_550 : i32 to index
    %swap3A_552 = arith.constant 80 : index
    %swap3A_553 = tpu.vector_load %arg15[%swap3A_551, %swap3A_552] {strides = array<i32>} : memref<5x128xf32, #tpu.memory_space<vmem>>, vector<16xf32>,
    tpu.vector_store %arg15[%swap3A_551, %swap3A_552], %gather3A_549 {strides = array<i32>} : memref<5x128xf32, #tpu.memory_space<vmem>>, vector<16xf32>,
    %add3A_554 = arith.constant 48 : i32
    %add3A_555 = vector.broadcast %add3A_554 : i32 to vector<16xi32>
    %add3A_556 = arith.addi %iota3A, %add3A_555 : vector<16xi32>
    %gather3A_557 = tpu.vector_load_idx %arg14[%add3A_556, %broadcast_in_dim3A_219] : memref<80x16xf32, #tpu.memory_space<vmem>>[vector<16xi32>, vector<16xi32>], vector<16xf32>,
    %swap3A_558 = arith.constant 4 : i32
    %swap3A_559 = arith.index_cast %swap3A_558 : i32 to index
    %swap3A_560 = arith.constant 96 : index
    %swap3A_561 = tpu.vector_load %arg15[%swap3A_559, %swap3A_560] {strides = array<i32>} : memref<5x128xf32, #tpu.memory_space<vmem>>, vector<16xf32>,
    tpu.vector_store %arg15[%swap3A_559, %swap3A_560], %gather3A_557 {strides = array<i32>} : memref<5x128xf32, #tpu.memory_space<vmem>>, vector<16xf32>,
    %add3A_562 = arith.constant 64 : i32
    %add3A_563 = vector.broadcast %add3A_562 : i32 to vector<16xi32>
    %add3A_564 = arith.addi %iota3A, %add3A_563 : vector<16xi32>
    %gather3A_565 = tpu.vector_load_idx %arg14[%add3A_564, %broadcast_in_dim3A_219] : memref<80x16xf32, #tpu.memory_space<vmem>>[vector<16xi32>, vector<16xi32>], vector<16xf32>,
    %swap3A_566 = arith.constant 4 : i32
    %swap3A_567 = arith.index_cast %swap3A_566 : i32 to index
    %swap3A_568 = arith.constant 112 : index
    %swap3A_569 = tpu.vector_load %arg15[%swap3A_567, %swap3A_568] {strides = array<i32>} : memref<5x128xf32, #tpu.memory_space<vmem>>, vector<16xf32>,
    tpu.vector_store %arg15[%swap3A_567, %swap3A_568], %gather3A_565 {strides = array<i32>} : memref<5x128xf32, #tpu.memory_space<vmem>>, vector<16xf32>,
    %mul3A_570 = arith.constant 5 : i32
    %mul3A_571 = arith.muli %arg1, %mul3A_570 : i32
    "tpu.region"() ({
      %run_scoped3A = tpu.sem_alloc : memref<!tpu.dma_semaphore, #tpu.memory_space<semaphore_mem>>
      %dma_start3A_572 = arith.constant 0 : i32
      %dma_start3A_573 = tpu.memref_slice %arg9[%arg0, %mul3A_571, %dma_start3A_572] : memref<2x80x128xf32, #tpu.memory_space<hbm>> -> memref<1x5x128xf32, #tpu.memory_space<hbm>>
      %dma_start3A_574 = tpu.memref_squeeze %dma_start3A_573 : memref<1x5x128xf32, #tpu.memory_space<hbm>> -> memref<5x128xf32, #tpu.memory_space<hbm>>
      %dma_start3A_575 = arith.constant 0 : i32
      %dma_start3A_576 = tpu.memref_slice %arg9[%arg0, %mul3A_571, %dma_start3A_575] : memref<2x80x128xf32, #tpu.memory_space<hbm>> -> memref<1x5x128xf32, #tpu.memory_space<hbm>>
      %dma_start3A_577 = tpu.memref_squeeze %dma_start3A_576 : memref<1x5x128xf32, #tpu.memory_space<hbm>> -> memref<5x128xf32, #tpu.memory_space<hbm>>
      tpu.enqueue_dma source(%arg15 : memref<5x128xf32, #tpu.memory_space<vmem>>) target(%dma_start3A_577 : memref<5x128xf32, #tpu.memory_space<hbm>>) target_semaphore(%run_scoped3A : memref<!tpu.dma_semaphore, #tpu.memory_space<semaphore_mem>>)
      %dma_wait3A_578 = arith.constant 0 : i32
      %dma_wait3A_579 = tpu.memref_slice %arg9[%arg0, %mul3A_571, %dma_wait3A_578] : memref<2x80x128xf32, #tpu.memory_space<hbm>> -> memref<1x5x128xf32, #tpu.memory_space<hbm>>
      %dma_wait3A_580 = tpu.memref_squeeze %dma_wait3A_579 : memref<1x5x128xf32, #tpu.memory_space<hbm>> -> memref<5x128xf32, #tpu.memory_space<hbm>>
      %dma_wait3A_581 = arith.constant 0 : i32
      %dma_wait3A_582 = tpu.memref_slice %arg9[%arg0, %mul3A_571, %dma_wait3A_581] : memref<2x80x128xf32, #tpu.memory_space<hbm>> -> memref<1x5x128xf32, #tpu.memory_space<hbm>>
      %dma_wait3A_583 = tpu.memref_squeeze %dma_wait3A_582 : memref<1x5x128xf32, #tpu.memory_space<hbm>> -> memref<5x128xf32, #tpu.memory_space<hbm>>
      tpu.wait_dma2 semaphore(%run_scoped3A : memref<!tpu.dma_semaphore, #tpu.memory_space<semaphore_mem>>) src(%arg15 : memref<5x128xf32, #tpu.memory_space<vmem>>) dst(%dma_wait3A_583 : memref<5x128xf32, #tpu.memory_space<hbm>>)
      tpu.yield
    }) : () -> ()
    return
  }
}

module attributes {stable_mosaic.version = 14 : i64} {
  func.func @_tc_body(%arg0: i32, %arg1: memref<2x1024x128xf32, #tpu.memory_space<vmem>>, %arg2: memref<2x1024x1xf32, #tpu.memory_space<vmem>>, %arg3: memref<1024x128xf32, #tpu.memory_space<vmem>>, %arg4: memref<128x128xf32, #tpu.memory_space<vmem>>, %arg5: memref<1x128xf32, #tpu.memory_space<vmem>>, %arg6: memref<1024x128xf32, #tpu.memory_space<vmem>>) attributes {dimension_semantics = [#tpu.dimension_semantics<arbitrary>], iteration_bounds = array<i64: 10>, scalar_prefetch = 0 : i64, scratch_operands = 0 : i64, tpu.core_type = #tpu.core_type<tc>, window_params = [{transform_indices = @transform_0, window_bounds = array<i64: 2, 1024, 128>}, {transform_indices = @transform_1, window_bounds = array<i64: 2, 1024, 1>}, {transform_indices = @transform_2, window_bounds = array<i64: 1024, 128>}, {pipeline_mode = #tpu.pipeline_mode<synchronous>, transform_indices = @transform_3, window_bounds = array<i64: 128, 128>}, {pipeline_mode = #tpu.pipeline_mode<synchronous>, transform_indices = @transform_4, window_bounds = array<i64: 1, 128>}, {transform_indices = @transform_5, window_bounds = array<i64: 1024, 128>}]} {
    %get3A = arith.constant 0 : index
    %get3A_0 = arith.constant 0 : index
    %get3A_1 = arith.constant 0 : index
    %get3A_2 = vector.load %arg1[%get3A, %get3A_0, %get3A_1] : memref<2x1024x128xf32, #tpu.memory_space<vmem>>, vector<1x1024x128xf32>
    %get3A_3 = vector.shape_cast %get3A_2 : vector<1x1024x128xf32> to vector<1024x128xf32>
    %get3A_4 = arith.constant 1 : index
    %get3A_5 = arith.constant 0 : index
    %get3A_6 = arith.constant 0 : index
    %get3A_7 = vector.load %arg1[%get3A_4, %get3A_5, %get3A_6] : memref<2x1024x128xf32, #tpu.memory_space<vmem>>, vector<1x1024x128xf32>
    %get3A_8 = vector.shape_cast %get3A_7 : vector<1x1024x128xf32> to vector<1024x128xf32>
    %add3A = arith.addf %get3A_3, %get3A_8 : vector<1024x128xf32>
    %get3A_9 = arith.constant 0 : index
    %get3A_10 = arith.constant 0 : index
    %get3A_11 = arith.constant 0 : index
    %get3A_12 = vector.load %arg2[%get3A_9, %get3A_10, %get3A_11] : memref<2x1024x1xf32, #tpu.memory_space<vmem>>, vector<1x1024x1xf32>
    %get3A_13 = vector.shape_cast %get3A_12 : vector<1x1024x1xf32> to vector<1024x1xf32>
    %get3A_14 = arith.constant 1 : index
    %get3A_15 = arith.constant 0 : index
    %get3A_16 = arith.constant 0 : index
    %get3A_17 = vector.load %arg2[%get3A_14, %get3A_15, %get3A_16] : memref<2x1024x1xf32, #tpu.memory_space<vmem>>, vector<1x1024x1xf32>
    %get3A_18 = vector.shape_cast %get3A_17 : vector<1x1024x1xf32> to vector<1024x1xf32>
    %add3A_19 = arith.addf %get3A_13, %get3A_18 : vector<1024x1xf32>
    %get3A_20 = arith.constant 0 : index
    %get3A_21 = arith.constant 0 : index
    %get3A_22 = vector.load %arg3[%get3A_20, %get3A_21] : memref<1024x128xf32, #tpu.memory_space<vmem>>, vector<1024x128xf32>
    %add3A_23 = arith.addf %add3A, %get3A_22 : vector<1024x128xf32>
    %add3A_24 = arith.constant 1.000000e+00 : f32
    %add3A_25 = vector.broadcast %add3A_24 : f32 to vector<1024x1xf32>
    %add3A_26 = arith.addf %add3A_19, %add3A_25 : vector<1024x1xf32>
    %div3A = vector.broadcast %add3A_26 : vector<1024x1xf32> to vector<1024x128xf32>
    %div3A_27 = arith.divf %add3A_23, %div3A : vector<1024x128xf32>
    %get3A_28 = arith.constant 0 : index
    %get3A_29 = arith.constant 0 : index
    %get3A_30 = vector.load %arg4[%get3A_28, %get3A_29] : memref<128x128xf32, #tpu.memory_space<vmem>>, vector<128x128xf32>
    %dot_general3A = arith.constant dense<0.000000e+00> : vector<1024x128xf32>
    %dot_general3A_31 = tpu.matmul %div3A_27, %get3A_30, %dot_general3A {dimension_numbers = #tpu.dot_dimension_numbers<[1], [1], [0], [0], [0, 0, 1, 0], [], []>, transpose_lhs_hint = false} : vector<1024x128xf32>, vector<128x128xf32>, vector<1024x128xf32> -> vector<1024x128xf32>
    %get3A_32 = arith.constant 0 : index
    %get3A_33 = arith.constant 0 : index
    %get3A_34 = vector.load %arg5[%get3A_32, %get3A_33] : memref<1x128xf32, #tpu.memory_space<vmem>>, vector<1x128xf32>
    %add3A_35 = vector.broadcast %get3A_34 : vector<1x128xf32> to vector<1024x128xf32>
    %add3A_36 = arith.addf %dot_general3A_31, %add3A_35 : vector<1024x128xf32>
    %ge3A = arith.constant 0.000000e+00 : f32
    %ge3A_37 = vector.broadcast %ge3A : f32 to vector<1024x128xf32>
    %ge3A_38 = arith.cmpf oge, %add3A_36, %ge3A_37 : vector<1024x128xf32>
    %mul3A = arith.constant 0.00999999977 : f32
    %mul3A_39 = vector.broadcast %mul3A : f32 to vector<1024x128xf32>
    %mul3A_40 = arith.mulf %mul3A_39, %add3A_36 : vector<1024x128xf32>
    %select_n3A = arith.select %ge3A_38, %add3A_36, %mul3A_40 : vector<1024x128xi1>, vector<1024x128xf32>
    %swap3A = arith.constant 0 : index
    %swap3A_41 = arith.constant 0 : index
    %swap3A_42 = vector.load %arg6[%swap3A, %swap3A_41] : memref<1024x128xf32, #tpu.memory_space<vmem>>, vector<1024x128xf32>
    tpu.vector_store %arg6[%swap3A, %swap3A_41], %select_n3A {strides = array<i32>} : memref<1024x128xf32, #tpu.memory_space<vmem>>, vector<1024x128xf32>,
    return
  }
  func.func @transform_0(%arg0: i32) -> (i32, i32, i32) {
    %c0_i32 = arith.constant 0 : i32
    %c0_i32_0 = arith.constant 0 : i32
    %c0_i32_1 = arith.constant 0 : i32
    return %c0_i32, %arg0, %c0_i32_0 : i32, i32, i32
  }
  func.func @transform_1(%arg0: i32) -> (i32, i32, i32) {
    %c0_i32 = arith.constant 0 : i32
    %c0_i32_0 = arith.constant 0 : i32
    %c0_i32_1 = arith.constant 0 : i32
    return %c0_i32, %arg0, %c0_i32_0 : i32, i32, i32
  }
  func.func @transform_2(%arg0: i32) -> (i32, i32) {
    %c0_i32 = arith.constant 0 : i32
    %c0_i32_0 = arith.constant 0 : i32
    return %arg0, %c0_i32 : i32, i32
  }
  func.func @transform_3(%arg0: i32) -> (i32, i32) {
    %c0_i32 = arith.constant 0 : i32
    %c0_i32_0 = arith.constant 0 : i32
    %c0_i32_1 = arith.constant 0 : i32
    return %c0_i32, %c0_i32_0 : i32, i32
  }
  func.func @transform_4(%arg0: i32) -> (i32, i32) {
    %c0_i32 = arith.constant 0 : i32
    %c0_i32_0 = arith.constant 0 : i32
    %c0_i32_1 = arith.constant 0 : i32
    return %c0_i32, %c0_i32_0 : i32, i32
  }
  func.func @transform_5(%arg0: i32) -> (i32, i32) {
    %c0_i32 = arith.constant 0 : i32
    %c0_i32_0 = arith.constant 0 : i32
    return %arg0, %c0_i32 : i32, i32
  }
}

</mosaic_0001>

<sc_bundles>
// kernel: kernel.4.cloned.1.call-start
scs
__scs_entry_jumppad:
0x0: {  	(pc) =	sbr.rel $0x88, $3  }
0x1: {  	(tag) =	ssettag $0x0;
	lr =	simm.s32 $0x1  }
0x2: {  	[smem:$0x3F9D] =	sst lr;
	_ =	strace $0xD0000000  }
0x3: {  	_ = 	snop  }
0x4: {  	_ = 	snop  }
0x5: {  	_ = 	snop  }
0x6: {  	_ = 	snop  }
0x7: {  	_ = 	snop  }
__scs_overlays_trampoline_lowered:
0x8: {  	[smem:$0x3FAC] =	sst s0  }
0x9: {  	[smem:$0x3FAD] =	sst s1  }
0xa: {  	[smem:$0x3FAE] =	sst s2  }
0xb: {  	[smem:$0x3FAF] =	sst s3  }
0xc: {  	[smem:$0x3FB0] =	sst s4  }
0xd: {  	[smem:$0x3FB1] =	sst s5  }
0xe: {  	[smem:$0x3FB2] =	sst s6  }
0xf: {  	[smem:$0x3FB3] =	sst s7  }
0x10: {  	[smem:$0x3FB4] =	sst s8  }
0x11: {  	[smem:$0x3FB5] =	sst s9;
	s0 =	simm.s32 @!p0 $0x0  }
0x12: {  	s1 =	sld [smem:$0x3F9B];
	s0 =	simm.s32 @p0 $0x1  }
0x13: {  	[smem:$0x3FB6] =	sst s0;
	s0 =	simm.s32 @!p1 $0x0  }
0x14: {  	s2 =	sld [smem:$0x3F9A];
	s0 =	simm.s32 @p1 $0x1  }
0x15: {  	[smem:$0x3FB7] =	sst s0;
	s0 =	simm.s32 @!p2 $0x0  }
0x16: {  	s3 =	sld [smem:$0x3FDB];
	s0 =	simm.s32 @p2 $0x1  }
0x17: {  	s4 =	simm.s32 $0x1BF5;
	[smem:$0x3FB9] =	sst s0  }
0x18: {  	s0 =	sld [smem:$0x3F9C];
	_ =	swait.ge [sflag:s4], $0x0  }
0x19: {  	s7 =	sld [smem:$0x3F9D]  }
0x1a: {  	s8 =	sadd.s32 $0xFFFFE003, lr  }
0x1b: {  	s9 =	sadd.s32 $0xFFFFFEF7, lr;
	s5 =	simm.s32 $0xFFFFFFFF;
	p2 =	slt.u32 s8, $0xFFFFF086  }
0x1c: {  	p1 =	slt.u32 s9, $0xF7A;
	s5 =	simm.s32 @!p2 $0x0  }
0x1d: {  	s5 =	simm.s32 @p1 $0x1;
	p0 =	seq.s32 s7, s2  }
0x1e: {  	s7 =	smul.u32 @!p0 $0xF7A, s2;
	p2 =	seq.s32 @!p0 s5, $0x0  }
0x1f: {  	s9 =	smul.u32 $0xF7A, s1;
	s8 =	simm.s32 @!p0 $0x1BF5;
	p2 =	por !p2, p0  }
0x20: {  	[sflag:s8] =	ssyncset.s32 @!p0 $0xFFFFF086;
	s6 =	sadd.s32 @!p0 s3, s7;
	s7 =	simm.s32 @!p0 $0x108  }
0x21: {  	s3 =	sadd.s32 s3, s9;
	s6 =	sadd.s32 @!p0 $0x88, s6;
	s7 =	simm.s32 @p2 $0x1082  }
0x22: {  	[simem:s7], [sflag:s8] =	dma.local @!p0 [hbm:s6], $0xF7A  }
0x23: {  	s9 =	sor.u32 $0xD0000000, s2;
	s6 =	simm.s32 $0x108;
	_ =	swait.ge @!p0 [sflag:s8], $0x0  }
0x24: {  	s3 =	sadd.s32 $0x88, s3;
	s6 =	simm.s32 @!p1 $0x1082;
	[sflag:s4] =	ssyncset.s32 $0xFFFFF086  }
0x25: {  	[simem:s6], [sflag:s4] =	dma.local [hbm:s3], $0xF7A  }
0x26: {  	[smem:$0x3F9D] =	sst s1;
	(tag) =	ssettag s2;
	_ =	strace s9  }
0x27: {  	s1 =	sld [smem:$0x3FAD]  }
0x28: {  	s2 =	sld [smem:$0x3FAE]  }
0x29: {  	s4 =	sld [smem:$0x3FB0]  }
0x2a: {  	p0 =	seq.s32 s5, $0x0;
	s5 =	sld [smem:$0x3FB1]  }
0x2b: {  	s6 =	sld [smem:$0x3FB2]  }
0x2c: {  	s7 =	sld [smem:$0x3FB3]  }
0x2d: {  	s3 =	simm.s32 $0x108;
	s8 =	sld [smem:$0x3FB4]  }
0x2e: {  	s3 =	simm.s32 @!p0 $0x1082;
	s9 =	sld [smem:$0x3FB5]  }
0x2f: {  	lr =	sadd.s32 s0, s3;
	s0 =	sld [smem:$0x3FAC]  }
0x30: {  	s3 =	sld [smem:$0x3FAF]  }
0x31: {  	[smem:$0x3FB8] =	sst s10  }
0x32: {  	s10 =	sld [smem:$0x3FB6];
	_ =	sdelay $0x3  }
0x33: {  	p0 =	seq.s32 s10, $0x1;
	s10 =	sld [smem:$0x3FB8];
	_ =	sdelay $0x3  }
0x34: {  	[smem:$0x3FB8] =	sst s10  }
0x35: {  	s10 =	sld [smem:$0x3FB7];
	_ =	sdelay $0x3  }
0x36: {  	p1 =	seq.s32 s10, $0x1;
	s10 =	sld [smem:$0x3FB8];
	_ =	sdelay $0x3  }
0x37: {  	[smem:$0x3FB8] =	sst s10  }
0x38: {  	s10 =	sld [smem:$0x3FB9]  }
0x39: {  	_ = 	snop;
	(pc) =	sbr.ind lr, $3  }
0x3a: {  	_ = 	snop  }
0x3b: {  	_ = 	snop  }
0x3c: {  	p2 =	seq.s32 s10, $0x1;
	s10 =	sld [smem:$0x3FB8]  }
0x3d: {  	_ =	shalt  }
0x3e: {  	_ =	shalt  }
0x3f: {  	_ =	shalt  }
0x40: {  	_ =	shalt  }
0x41: {  	_ =	shalt  }
0x42: {  	_ =	shalt  }
0x43: {  	_ =	shalt  }
0x44: {  	_ =	shalt  }
0x45: {  	_ =	shalt  }
0x46: {  	_ =	shalt  }
0x47: {  	_ =	shalt  }
0x48: {  	_ =	shalt  }
0x49: {  	_ =	shalt  }
0x4a: {  	_ =	shalt  }
0x4b: {  	_ =	shalt  }
0x4c: {  	_ =	shalt  }
0x4d: {  	_ =	shalt  }
0x4e: {  	_ =	shalt  }
0x4f: {  	_ =	shalt  }
0x50: {  	_ =	shalt  }
0x51: {  	_ =	shalt  }
0x52: {  	_ =	shalt  }
0x53: {  	_ =	shalt  }
0x54: {  	_ =	shalt  }
0x55: {  	_ =	shalt  }
0x56: {  	_ =	shalt  }
0x57: {  	_ =	shalt  }
0x58: {  	_ =	shalt  }
0x59: {  	_ =	shalt  }
0x5a: {  	_ =	shalt  }
0x5b: {  	_ =	shalt  }
0x5c: {  	_ =	shalt  }
0x5d: {  	_ =	shalt  }
0x5e: {  	_ =	shalt  }
0x5f: {  	_ =	shalt  }
0x60: {  	_ =	shalt  }
0x61: {  	_ =	shalt  }
0x62: {  	_ =	shalt  }
0x63: {  	_ =	shalt  }
0x64: {  	_ =	shalt  }
0x65: {  	_ =	shalt  }
0x66: {  	_ =	shalt  }
0x67: {  	_ =	shalt  }
0x68: {  	_ =	shalt  }
0x69: {  	_ =	shalt  }
0x6a: {  	_ =	shalt  }
0x6b: {  	_ =	shalt  }
0x6c: {  	_ =	shalt  }
0x6d: {  	_ =	shalt  }
0x6e: {  	_ =	shalt  }
0x6f: {  	_ =	shalt  }
0x70: {  	_ =	shalt  }
0x71: {  	_ =	shalt  }
0x72: {  	_ =	shalt  }
0x73: {  	_ =	shalt  }
0x74: {  	_ =	shalt  }
0x75: {  	_ =	shalt  }
0x76: {  	_ =	shalt  }
0x77: {  	_ =	shalt  }
0x78: {  	_ =	shalt  }
0x79: {  	_ =	shalt  }
0x7a: {  	_ =	shalt  }
0x7b: {  	_ =	shalt  }
0x7c: {  	_ =	shalt  }
0x7d: {  	_ =	shalt  }
0x7e: {  	_ =	shalt  }
0x7f: {  	_ =	shalt  }
0x80: {  	_ =	shalt  }
0x81: {  	_ =	shalt  }
0x82: {  	_ =	shalt  }
0x83: {  	_ =	shalt  }
0x84: {  	_ =	shalt  }
0x85: {  	_ =	shalt  }
0x86: {  	_ =	shalt  }
0x87: {  	_ =	shalt  }
.Lfunc_end0:
.L_simem_size_0:
called_computation_lowered:
.L_overlay_start_0:
0x88: {  	s2 =	sld [smem:$0x3FD9]  }
0x89: {  	s3 =	sld [smem:$0x3FFE];
	_ =	sdelay $0x1  }
0x8a: {  	s1 =	srdreg.scid  }
0x8b: {  	s0 =	sand.u32 $0x1, s1  }
0x8c: {  	s17 =	sshll.u32 s0, $0xA;
	s2 =	sadd.s32 s3, s2  }
0x8d: {  	s2 =	sadd.s32 s2, s17  }
0x8e: {  	[smem:$0x3FC4] =	sst s2  }
0x8f: {  	_ = 	snop  }
0x90: {  	s2 =	sld [smem:$0x3FC9]  }
0x91: {  	s18 =	sld [smem:$0x3FD0];
	(tm) =	ssettm $0x1  }
0x92: {  	s4 =	sld [smem:$0x3FFB];
	_ =	sdelay $0x3  }
0x93: {  	_ =	strace s4  }
0x94: {  	s4 =	sld [smem:$0x3FFC];
	_ =	sdelay $0x3  }
0x95: {  	_ =	strace s4  }
0x96: {  	s4 =	sld [smem:$0x3FFD];
	_ =	sdelay $0x3  }
0x97: {  	_ =	strace s4  }
0x98: {  	_ =	strace $0x8FFFFFFF  }
0x99: {  	s19 =	sld [smem:$0x3FDB];
	_ =	sdelay $0x1  }
0x9a: {  	s5 =	simm.s32 $_scs_section_size  }
0x9b: {  	s6 =	simm.s32 $_size__tile_overlayer_lowered;
	s7 =	simm.s32 $_tile_overlayer_lowered  }
0x9c: {  	s22 =	simm.s32 $0x1BFF;
	s21 =	sshll.u32 s7, $0x1;
	s4 =	sadd.s32 s5, s19  }
0x9d: {  	s8 =	simm.s32 $0x0;
	s20 =	sshll.u32 s6, $0x1;
	s6 =	sadd.s32 s21, s4  }
0x9e: {  	[timem:s8], [sflag:s22] =	dma.local [hbm:s6], s20  }
0x9f: {  	_ =	swait.ge [sflag:s22], s20  }
0xa0: {  	s5 =	ssub.s32 $0x0, s20;
	[sflag:s22] =	ssyncset.done $0x0  }
0xa1: {  	[sflag:s22] =	ssyncadd.s32 s5;
	_ =	sdelay $0x1  }
0xa2: {  	s23 =	simm.s32 $0x1B8B  }
0xa3: {  	_ =	swait.ge [sflag:s23], $0x1  }
0xa4: {  	[sflag:s23] =	ssyncset.done $0x0  }
0xa5: {  	s25 =	simm.s32 $0x1B8E;
	s24 =	sld [smem:$0x3FFE];
	[sflag:s23] =	ssyncadd.s32 $0xFFFFFFFF  }
0xa6: {  	s26 =	simm.s32 $execute0_lowered;
	[smem:$0x3FD2] =	sst s25  }
0xa7: {  	s6 =	sshll.u32 s26, $0x1;
	_ =	strace $0x80000046;
	[dreg:$0x1] =	wrdreg $0xFFFFFFFF  }
0xa8: {  	s28 =	simm.s32 $_size_execute0_lowered;
	s4 =	sadd.s32 s4, s6;
	[dreg:$0x0] =	wrdreg $0x0  }
0xa9: {  	s6 =	sshll.u32 s28, $0x1;
	[dreg:$0x2] =	wrdreg s4  }
0xaa: {  	[dreg:$0x3] =	wrdreg s6  }
0xab: {  	[dreg:$0x4] =	wrdreg $0xC0  }
0xac: {  	_ =	task [dreg:s8], $0x5FFFF  }
0xad: {  	[dreg:$0x1] =	wrdreg $0xFFFFFFFF  }
0xae: {  	[dreg:$0x0] =	wrdreg $0x60  }
0xaf: {  	[dreg:$0x2] =	wrdreg s2  }
0xb0: {  	[dreg:$0x3] =	wrdreg s18  }
0xb1: {  	[dreg:$0x4] =	wrdreg s24  }
0xb2: {  	[dreg:$0x5] =	wrdreg $0x88400  }
0xb3: {  	[dreg:$0x6] =	wrdreg $0x1C8400  }
0xb4: {  	[dreg:$0x7] =	wrdreg $0x9  }
0xb5: {  	_ =	task.clear_ibuf [dreg:s8], $0x8FFFF;
	_ =	strace $0x90000046  }
0xb6: {  	s29 =	simm.s32 $0x9;
	_ =	strace $0x80000048  }
0xb7: {  	_ =	swait.ge [sflag:s29], $0x1  }
0xb8: {  	[sflag:s29] =	ssyncadd.s32 $0xFFFFFFFF  }
0xb9: {  	_ =	strace $0x90000048  }
0xba: {  	_ =	sfence  }
0xbb: {  	s30 =	sld [smem:$0x0];
	_ =	sdelay $0x2  }
0xbc: {  	s31 =	sshll.u32 s1, $0xD;
	s1 =	sshrl.u32 s1, $0x2  }
0xbd: {  	s3 =	sand.u32 $0x4000, s31;
	s1 =	sadd.s32 s1, s30  }
0xbe: {  	s0 =	sor.u32 s3, s0;
	s1 =	sshll.u32 s1, $0x11  }
0xbf: {  	s0 =	sor.u32 s1, s0  }
0xc0: {  	s0 =	sadd.s32 $0x8F2B, s0  }
0xc1: {  	[sflag:s0] =	ssyncadd.remote.s32 $0x1  }
0xc2: {  	_ =	sfence.sel $0xFFFF  }
0xc3: {  	[dreg:$0x0] =	wrdreg $0xFFFFFFFF;
	(pc) =	sbr.abs _section_cstart, $3  }
0xc4: {  	[dreg:$0x1] =	wrdreg $0xFFFFFFFF  }
0xc5: {  	_ =	task.clear_ibuf [dreg:s8], $0x2FFFF;
	_ =	strace $0x9FFFFFFF  }
0xc6: {  	(tm) =	ssettm $0x7FFFFFFF  }
0xc7: {  	_ =	shalt  }
tec
execute0_lowered:
.L_overlay_start_1:
0x0: {  	(tag) =	ssettag $0x1  }
0x1: {  	s1 =	rddreg [dreg:$0x0]  }
0x2: {  	s0 =	rddreg [dreg:$0x1]  }
0x3: {  	s3 =	rddreg [dreg:$0x2]  }
0x4: {  	s2 =	rddreg [dreg:$0x3]  }
0x5: {  	s4 =	rddreg [dreg:$0x4];
	s5 =	simm.s32 $0x0;
	s19 =	stileid.u32  }
0x6: {  	s7 =	srdreg.scid;
	s28 =	simm.s32 $0xA;
	s6 =	smul.u32 $0x14000, s19  }
0x7: {  	[smem:$0x7FF] =	sst s5;
	s8 =	smul.u32 $0x2800, s19;
	s7 =	sand.u32 $0x1, s7  }
0x8: {  	s9 =	sadd.s32 $0x1200, s3;
	s14 =	smul.u32 $0x280, s19;
	s15 =	sadd.s32 $0x1000, s3  }
0x9: {  	s22 =	sshll.u32 s19, $0x1;
	_ =	strace $0x80000047;
	s11 =	smul.u32 $0x140000, s7  }
0xa: {  	s13 =	smul.u32 $0x2800, s7;
	[dreg:$0x8] =	wrdreg s15;
	s15 =	sor.u32 s7, s22  }
0xb: {  	s23 =	ssub.s32 $0x2, s7;
	s10 =	sshrl.u32 s6, $0x3;
	s17 =	smul.u32 $0x4EC, s15  }
0xc: {  	s12 =	sshrl.u32 s8, $0x3;
	s16 =	sshrl.u32 s23, $0x1;
	s26 =	smul.u32 $0x2760, s15  }
0xd: {  	s10 =	sadd.s32 s10, s3;
	s12 =	sadd.s32 s12, s3;
	s11 =	sadd.s32 s6, s11  }
0xe: {  	s13 =	sadd.s32 s14, s13;
	s6 =	sadd.s32 s6, s2;
	s11 =	sshrl.u32 s11, $0x3  }
0xf: {  	s13 =	sshrl.u32 s13, $0x3;
	s24 =	sadd.s32 s0, s17;
	[dreg:$0xb] =	wrdreg s6  }
0x10: {  	s25 =	sadd.s32 s9, s17;
	s29 =	sadd.s32 $0x10000, s10;
	[dreg:$0x9] =	wrdreg s24  }
0x11: {  	s10 =	smul.u32 $0xA000, s19;
	s15 =	sshrl.u32 s26, $0x3;
	[dreg:$0xa] =	wrdreg s25  }
0x12: {  	s12 =	sadd.s32 $0xB000, s12;
	s18 =	sadd.s32 s11, s3;
	[dreg:$0xc] =	wrdreg s29  }
0x13: {  	s11 =	sadd.s32 s8, s4;
	[dreg:$0xe] =	wrdreg s12;
	s8 =	sadd.s32 $0x1E, s15  }
0x14: {  	s3 =	sadd.s32 s13, s3;
	s17 =	sadd.s32 s0, s8;
	[dreg:$0xd] =	wrdreg s11  }
0x15: {  	s13 =	ssub.s32 s23, s16;
	s8 =	sadd.s32 s9, s8;
	[dreg:$0xf] =	wrdreg s17  }
0x16: {  	s16 =	smul.u32 $0x9D8, s19;
	s19 =	sadd.s32 $0x38A00, s18;
	[dreg:$0x10] =	wrdreg s8  }
0x17: {  	s6 =	sshrl.u32 s10, $0x2;
	s3 =	sadd.s32 $0x38000, s3;
	[dreg:$0x11] =	wrdreg s19  }
0x18: {  	s29 =	smax.u32 s13, $0x1;
	s6 =	sadd.s32 s6, s4;
	[dreg:$0x19] =	wrdreg s3  }
0x19: {  	s30 =	simm.s32 $0x50;
	[dreg:$0x1a] =	wrdreg s29;
	s20 =	sadd.s32 $0x500, s6  }
0x1a: {  	s31 =	simm.s32 $0x3C0;
	s21 =	sadd.s32 $0xA00, s6;
	[dreg:$0x12] =	wrdreg s20  }
0x1b: {  	s7 =	smul.u32 $0x4EC, s7;
	s22 =	sadd.s32 $0xF00, s6;
	[dreg:$0x13] =	wrdreg s21  }
0x1c: {  	s12 =	simm.s32 $0x0;
	s23 =	sadd.s32 $0x1400, s6;
	[dreg:$0x14] =	wrdreg s22  }
0x1d: {  	s10 =	simm.s32 $0x80C0;
	s25 =	sadd.s32 $0x1900, s6;
	[dreg:$0x15] =	wrdreg s23  }
0x1e: {  	s0 =	sadd.s32 s16, s0;
	s26 =	sadd.s32 $0x1E00, s6;
	[dreg:$0x16] =	wrdreg s25  }
0x1f: {  	v0 =	vlaneseq.u32;
	s0 =	sadd.s32 s7, s0;
	s6 =	sadd.s32 $0x2300, s6;
	[dreg:$0x17] =	wrdreg s26  }
0x20: {  	v0 =	vmul.u32 $0x10, v0;
	s24 =	sadd.s32 s16, s9;
	s0 =	sadd.s32 $0x3C, s0;
	[dreg:$0x18] =	wrdreg s6  }
0x21: {  	s3 =	simm.s32 $0x3;
	[dreg:$0x6] =	wrdreg s0;
	s0 =	sadd.s32 s7, s24  }
0x22: {  	v1 =	vor.u32 $0x100, v0;
	s26 =	simm.s32 $0x7BC0;
	s25 =	simm.s32 $0x1;
	s0 =	sadd.s32 $0x3C, s0  }
0x23: {  	v2 =	vor.u32 $0x200, v0;
	v3 =	vor.u32 $0x300, v0;
	v4 =	vor.u32 $0x400, v0;
	s6 =	simm.s32 $0x7;
	[dreg:$0x7] =	wrdreg s0;
	s0 =	simm.s32 $0x53C0  }
.LBB2_1:
0x24: {  	s7 =	rddreg [dreg:$0x9]  }
0x25: {  	[tilespmem:s5], [sflag:$0x8] =	stream.linear.gather [hbm4b:s7+s5], $0xF0, $0x38;
	[tilespmem:$0x1F040] =	vst v63  }
0x26: {  	s9 =	rddreg [dreg:$0xa];
	s8 =	simm.s32 $0x1E0  }
0x27: {  	[tilespmem:s8], [sflag:$0x8] =	stream.linear.gather [hbm4b:s9+s5], $0xF0, $0x38;
	[tilespmem:$0x1F040] =	vst v63  }
0x28: {  	s13 =	rddreg [dreg:$0x8];
	s14 =	stileid.u32  }
0x29: {  	[tilespmem:s26], [sflag:$0xA] =	stream.linear.gather [hbm4b:s13+s5], $0x500, $0x38;
	[tilespmem:$0x1F040] =	vst v63  }
0x2a: {  	s13 =	sshll.u32 s14, $0x6;
	_ =	swait.ge [sflag:s28], $0x500  }
0x2b: {  	s13 =	sor.u32 $0x1C0A, s13;
	[sflag:s28] =	ssyncset.done $0x0;
	s15 =	rddreg [dreg:$0xb]  }
0x2c: {  	s16 =	rddreg [dreg:$0xc];
	[sflag:s28] =	ssyncadd.s32 $0xFFFFFB00;
	s14 =	sshrl.u32 s15, $0x3  }
0x2d: {  	[spmem:s14], [sflag:s13] =	dma.local [hbm:s16], $0x2800  }
0x2e: {  	_ =	swait.ge [sflag:s28], $0x2800  }
0x2f: {  	[sflag:s28] =	ssyncset.done $0x0  }
0x30: {  	s15 =	sshrl.u32 s11, $0x3;
	s17 =	rddreg [dreg:$0xe];
	[sflag:s28] =	ssyncadd.s32 $0xFFFFD800  }
0x31: {  	[spmem:s15], [sflag:s13] =	dma.local [hbm:s17], $0x500  }
0x32: {  	_ =	swait.ge [sflag:s28], $0x500  }
0x33: {  	[sflag:s28] =	ssyncset.done $0x0  }
0x34: {  	s18 =	simm.s32 $0x8;
	[sflag:s28] =	ssyncadd.s32 $0xFFFFFB00  }
0x35: {  	_ =	swait.ge [sflag:s18], $0xF0  }
0x36: {  	[sflag:s18] =	ssyncset.done $0x0  }
0x37: {  	[sflag:s18] =	ssyncadd.s32 $0xFFFFFF10  }
0x38: {  	_ =	swait.ge [sflag:s18], $0xF0  }
0x39: {  	[sflag:s18] =	ssyncset.done $0x0  }
0x3a: {  	[sflag:s18] =	ssyncadd.s32 $0xFFFFFF10  }
0x3b: {  	[tilespmem:s31], [sflag:$0x1] =	stream.indirect.gather [hbm4b:s1+s30], $0x80, s5, s30, $0xb8;
	[tilespmem:$0x1F040] =	vst v63  }
0x3c: {  	s19 =	simm.s32 $0x2BC0  }
0x3d: {  	[tilespmem:s19], [sflag:$0x2] =	stream.indirect.gather [hbm4b:s1+s30], $0x80, s30, s30, $0xb8;
	[tilespmem:$0x1F040] =	vst v63  }
0x3e: {  	s20 =	simm.s32 $0xA0  }
0x3f: {  	[tilespmem:s0], [sflag:$0x3] =	stream.indirect.gather [hbm4b:s1+s30], $0x80, s20, s30, $0xb8;
	[tilespmem:$0x1F040] =	vst v63  }
0x40: {  	s22 =	simm.s32 $0xF0;
	s21 =	rddreg [dreg:$0xf]  }
0x41: {  	[tilespmem:s22], [sflag:$0x9] =	stream.linear.gather [hbm4b:s21+s5], $0xF0, $0x38;
	[tilespmem:$0x1F040] =	vst v63  }
0x42: {  	s24 =	simm.s32 $0x2D0;
	s23 =	rddreg [dreg:$0x10]  }
0x43: {  	[tilespmem:s24], [sflag:$0x9] =	stream.linear.gather [hbm4b:s23+s5], $0xF0, $0x38;
	[tilespmem:$0x1F040] =	vst v63  }
0x44: {  	s18 =	sand.u32 $0x1, s5;
	[bflag:$0x0] =	sbarrier.arrive $0xFFFF  }
0x45: {  	s16 =	smul.u32 $0xF0, s18;
	_ =	swait.ge [sflag:s25], $0x2800  }
0x46: {  	[sflag:s25] =	ssyncset.done $0x0  }
0x47: {  	p0 =	por $0x0, $0x0;
	s17 =	sadd.s32 $0x1E0, s16;
	[sflag:s25] =	ssyncadd.s32 $0xFFFFD800  }
0x48: {  	[spmem:s2] =	stream.indirect.scatter.add.f32 [tilespmem:s31], [sflag:$0x4], $0x80, s17, s30, $0xb8;
	[tilespmem:$0x1F040] =	vst v63  }
0x49: {  	s15 =	simm.s32 @p0 $0x2  }
0x4a: {  	[spmem:s4] =	stream.indirect.scatter.add.f32 [tilespmem:s26], [sflag:$0x7], $0x10, s17, s30, $0xb8;
	[tilespmem:$0x1F040] =	vst v63  }
0x4b: {  	_ =	swait.ge @p0 [sflag:s15], $0x2800  }
0x4c: {  	s19 =	sxor.u32 @!p0 $0x1, s18;
	s20 =	sadd.s32 @p0 $0x230, s16;
	[sflag:s15] =	ssyncset.done @p0 $0x0  }
0x4d: {  	s21 =	simm.s32 @p0 $0x2BC0;
	[sflag:s15] =	ssyncadd.s32 @p0 $0xFFFFD800;
	s15 =	simm.s32 @p0 $0x50  }
0x4e: {  	[spmem:s2] =	stream.indirect.scatter.add.f32 @p0 [tilespmem:s21], [sflag:$0x5], $0x80, s20, s15, $0xb8;
	[tilespmem:$0x1F040] =	vst v63  }
0x4f: {  	s22 =	sor.u32 @!p0 $0x8, s19;
	s21 =	simm.s32 @p0 $0x7BC0  }
0x50: {  	[spmem:s4] =	stream.indirect.scatter.add.f32 @p0 [tilespmem:s21], [sflag:$0x7], $0x10, s20, s15, $0xb8;
	[tilespmem:$0x1F040] =	vst v63  }
0x51: {  	_ =	swait.ge @!p0 [sflag:s22], $0xF0  }
0x52: {  	[sflag:s22] =	ssyncset.done @!p0 $0x0  }
0x53: {  	[sflag:s22] =	ssyncadd.s32 @!p0 $0xFFFFFF10  }
0x54: {  	_ =	swait.ge @!p0 [sflag:s22], $0xF0  }
0x55: {  	[sflag:s22] =	ssyncset.done @!p0 $0x0  }
0x56: {  	s15 =	simm.s32 @!p0 $0x4;
	[sflag:s22] =	ssyncadd.s32 @!p0 $0xFFFFFF10  }
0x57: {  	s19 =	smul.u32 @!p0 $0x3C0, s19;
	_ =	swait.ge @!p0 [sflag:s15], $0x2800  }
0x58: {  	s20 =	simm.s32 @!p0 $0x3C0;
	s21 =	simm.s32 @!p0 $0x2;
	[sflag:s15] =	ssyncset.done @!p0 $0x0  }
0x59: {  	[sflag:s15] =	ssyncadd.s32 @!p0 $0xFFFFD800;
	s15 =	sshrl.u32 @!p0 s19, $0x2;
	s19 =	simm.s32 @!p0 $0x50  }
0x5a: {  	[tilespmem:s20], [sflag:$0x1] =	stream.indirect.gather @!p0 [hbm4b:s1+s19], $0x80, s15, s19, $0xb8;
	[tilespmem:$0x1F040] =	vst v63  }
0x5b: {  	_ =	swait.ge @!p0 [sflag:s21], $0x2800  }
0x5c: {  	[sflag:s21] =	ssyncset.done @!p0 $0x0  }
0x5d: {  	s20 =	sadd.s32 @!p0 $0x230, s16;
	[sflag:s21] =	ssyncadd.s32 @!p0 $0xFFFFD800;
	s21 =	simm.s32 @!p0 $0x2BC0  }
0x5e: {  	[spmem:s2] =	stream.indirect.scatter.add.f32 @!p0 [tilespmem:s21], [sflag:$0x5], $0x80, s20, s19, $0xb8;
	[tilespmem:$0x1F040] =	vst v63  }
0x5f: {  	s22 =	simm.s32 @!p0 $0x7BC0  }
0x60: {  	[spmem:s4] =	stream.indirect.scatter.add.f32 @!p0 [tilespmem:s22], [sflag:$0x7], $0x10, s20, s19, $0xb8;
	[tilespmem:$0x1F040] =	vst v63  }
0x61: {  	s20 =	simm.s32 @!p0 $0x5  }
0x62: {  	_ =	swait.ge @!p0 [sflag:s20], $0x2800  }
0x63: {  	[sflag:s20] =	ssyncset.done @!p0 $0x0  }
0x64: {  	s22 =	sadd.s32 @!p0 $0x50, s15;
	[sflag:s20] =	ssyncadd.s32 @!p0 $0xFFFFD800  }
0x65: {  	[tilespmem:s21], [sflag:$0x2] =	stream.indirect.gather @!p0 [hbm4b:s1+s19], $0x80, s22, s19, $0xb8;
	[tilespmem:$0x1F040] =	vst v63  }
0x66: {  	_ =	swait.ge [sflag:s3], $0x2800  }
0x67: {  	[sflag:s3] =	ssyncset.done $0x0  }
0x68: {  	s29 =	sadd.s32 $0x280, s16;
	[sflag:s3] =	ssyncadd.s32 $0xFFFFD800  }
0x69: {  	[spmem:s2] =	stream.indirect.scatter.add.f32 [tilespmem:s0], [sflag:$0x6], $0x80, s29, s30, $0xb8;
	[tilespmem:$0x1F040] =	vst v63  }
0x6a: {  	s21 =	simm.s32 @!p0 $0x6  }
0x6b: {  	[spmem:s4] =	stream.indirect.scatter.add.f32 [tilespmem:s26], [sflag:$0x7], $0x10, s29, s30, $0xb8;
	[tilespmem:$0x1F040] =	vst v63  }
0x6c: {  	_ =	swait.ge @!p0 [sflag:s21], $0x2800  }
0x6d: {  	[sflag:s21] =	ssyncset.done @!p0 $0x0  }
0x6e: {  	s15 =	sadd.s32 @!p0 $0xA0, s15;
	s20 =	simm.s32 @!p0 $0x53C0;
	[sflag:s21] =	ssyncadd.s32 @!p0 $0xFFFFD800  }
0x6f: {  	[tilespmem:s20], [sflag:$0x3] =	stream.indirect.gather @!p0 [hbm4b:s1+s19], $0x80, s15, s19, $0xb8;
	[tilespmem:$0x1F040] =	vst v63  }
0x70: {  	_ =	swait.ge [sflag:s6], $0x500  }
0x71: {  	p6 =	por $0x0, $0x0;
	[sflag:s6] =	ssyncset.done $0x0  }
0x72: {  	p1 =	por $0x0, $0x0;
	s21 =	simm.s32 $0x0;
	[sflag:s6] =	ssyncadd.s32 $0xFFFFFB00  }
0x73: {  	s15 =	simm.s32 $0x1E;
	p0 =	por p6, p6;
	_ =	swait.ge [sflag:s6], $0x500  }
0x74: {  	s19 =	simm.s32 $0x1;
	s20 =	simm.s32 $0x3C;
	[sflag:s6] =	ssyncset.done $0x0  }
0x75: {  	p2 =	por p0, p0;
	p0 =	por p1, p1;
	[sflag:s6] =	ssyncadd.s32 $0xFFFFFB00  }
0x76: {  	p1 =	por $0x0, $0x0;
	s23 =	simm.s32 @!p2 $0x0;
	_ =	swait.ge [sflag:s6], $0x500  }
.LBB2_2:
0x77: {  	s24 =	sand.u32 $0x1, s19  }
0x78: {  	s7 =	rddreg [dreg:$0x6];
	[sflag:s6] =	ssyncset.done $0x0;
	s18 =	sor.u32 @!p2 $0x8, s18  }
0x79: {  	s29 =	rddreg [dreg:$0x7];
	[sflag:s6] =	ssyncadd.s32 $0xFFFFFB00;
	s7 =	sadd.s32 @!p2 s21, s7  }
0x7a: {  	[tilespmem:s16], [sflag:s18] =	stream.linear.gather @!p2 [hbm4b:s7+s23], $0xF0, $0x38;
	[tilespmem:$0x1F040] =	vst v63  }
0x7b: {  	s9 =	smul.u32 $0xF0, s24;
	s7 =	sadd.s32 @!p2 s21, s29  }
0x7c: {  	[tilespmem:s17], [sflag:s18] =	stream.linear.gather @!p2 [hbm4b:s7+s23], $0xF0, $0x38;
	[tilespmem:$0x1F040] =	vst v63  }
0x7d: {  	_ =	swait.ge [sflag:s25], $0x2800  }
0x7e: {  	s16 =	smov.u32 s9;
	[sflag:s25] =	ssyncset.done $0x0  }
0x7f: {  	s17 =	sadd.s32 $0x1E0, s16;
	[sflag:s25] =	ssyncadd.s32 $0xFFFFD800  }
0x80: {  	[spmem:s2] =	stream.indirect.scatter.add.f32 [tilespmem:s31], [sflag:$0x4], $0x80, s17, s30, $0xb8;
	[tilespmem:$0x1F040] =	vst v63  }
0x81: {  	s8 =	smov.u32 s20;
	s7 =	simm.s32 @p1 $0x2  }
0x82: {  	[spmem:s4] =	stream.indirect.scatter.add.f32 [tilespmem:s26], [sflag:$0x7], $0x10, s17, s30, $0xb8;
	[tilespmem:$0x1F040] =	vst v63  }
0x83: {  	s11 =	sxor.u32 @!p1 $0x1, s24;
	s21 =	smov.u32 s15;
	_ =	swait.ge @p1 [sflag:s7], $0x2800  }
0x84: {  	s15 =	smov.u32 s8;
	s9 =	simm.s32 @p1 $0x2BC0;
	[sflag:s7] =	ssyncset.done @p1 $0x0  }
0x85: {  	s8 =	sadd.s32 @p1 $0x230, s16;
	[sflag:s7] =	ssyncadd.s32 @p1 $0xFFFFD800;
	s7 =	simm.s32 @p1 $0x50  }
0x86: {  	[spmem:s2] =	stream.indirect.scatter.add.f32 @p1 [tilespmem:s9], [sflag:$0x5], $0x80, s8, s7, $0xb8;
	[tilespmem:$0x1F040] =	vst v63  }
0x87: {  	s22 =	smul.u32 @!p1 $0x3C0, s11;
	s11 =	sor.u32 @!p1 $0x8, s11;
	s9 =	simm.s32 @p1 $0x7BC0  }
0x88: {  	[spmem:s4] =	stream.indirect.scatter.add.f32 @p1 [tilespmem:s9], [sflag:$0x7], $0x10, s8, s7, $0xb8;
	[tilespmem:$0x1F040] =	vst v63  }
0x89: {  	_ =	swait.ge @!p1 [sflag:s11], $0xF0  }
0x8a: {  	[sflag:s11] =	ssyncset.done @!p1 $0x0  }
0x8b: {  	[sflag:s11] =	ssyncadd.s32 @!p1 $0xFFFFFF10  }
0x8c: {  	_ =	swait.ge @!p1 [sflag:s11], $0xF0  }
0x8d: {  	[sflag:s11] =	ssyncset.done @!p1 $0x0  }
0x8e: {  	s7 =	simm.s32 @!p1 $0x4;
	[sflag:s11] =	ssyncadd.s32 @!p1 $0xFFFFFF10  }
0x8f: {  	_ =	swait.ge @!p1 [sflag:s7], $0x2800  }
0x90: {  	s8 =	simm.s32 @!p1 $0x3C0;
	s9 =	simm.s32 @!p1 $0x2;
	[sflag:s7] =	ssyncset.done @!p1 $0x0  }
0x91: {  	s11 =	simm.s32 @!p1 $0x50;
	[sflag:s7] =	ssyncadd.s32 @!p1 $0xFFFFD800;
	s7 =	sshrl.u32 @!p1 s22, $0x2  }
0x92: {  	[tilespmem:s8], [sflag:$0x1] =	stream.indirect.gather @!p1 [hbm4b:s1+s11], $0x80, s7, s11, $0xb8;
	[tilespmem:$0x1F040] =	vst v63  }
0x93: {  	_ =	swait.ge @!p1 [sflag:s9], $0x2800  }
0x94: {  	[sflag:s9] =	ssyncset.done @!p1 $0x0  }
0x95: {  	s8 =	sadd.s32 @!p1 $0x230, s16;
	[sflag:s9] =	ssyncadd.s32 @!p1 $0xFFFFD800;
	s9 =	simm.s32 @!p1 $0x2BC0  }
0x96: {  	[spmem:s2] =	stream.indirect.scatter.add.f32 @!p1 [tilespmem:s9], [sflag:$0x5], $0x80, s8, s11, $0xb8;
	[tilespmem:$0x1F040] =	vst v63  }
0x97: {  	s23 =	simm.s32 @!p1 $0x5;
	s22 =	simm.s32 @!p1 $0x7BC0  }
0x98: {  	[spmem:s4] =	stream.indirect.scatter.add.f32 @!p1 [tilespmem:s22], [sflag:$0x7], $0x10, s8, s11, $0xb8;
	[tilespmem:$0x1F040] =	vst v63  }
0x99: {  	_ =	swait.ge @!p1 [sflag:s23], $0x2800  }
0x9a: {  	[sflag:s23] =	ssyncset.done @!p1 $0x0  }
0x9b: {  	s8 =	sadd.s32 @!p1 $0x50, s7;
	[sflag:s23] =	ssyncadd.s32 @!p1 $0xFFFFD800  }
0x9c: {  	[tilespmem:s9], [sflag:$0x2] =	stream.indirect.gather @!p1 [hbm4b:s1+s11], $0x80, s8, s11, $0xb8;
	[tilespmem:$0x1F040] =	vst v63  }
0x9d: {  	_ =	swait.ge [sflag:s3], $0x2800  }
0x9e: {  	[sflag:s3] =	ssyncset.done $0x0  }
0x9f: {  	s29 =	sadd.s32 $0x280, s16;
	[sflag:s3] =	ssyncadd.s32 $0xFFFFD800  }
0xa0: {  	[spmem:s2] =	stream.indirect.scatter.add.f32 [tilespmem:s0], [sflag:$0x6], $0x80, s29, s30, $0xb8;
	[tilespmem:$0x1F040] =	vst v63  }
0xa1: {  	s9 =	simm.s32 @!p1 $0x6  }
0xa2: {  	[spmem:s4] =	stream.indirect.scatter.add.f32 [tilespmem:s26], [sflag:$0x7], $0x10, s29, s30, $0xb8;
	[tilespmem:$0x1F040] =	vst v63  }
0xa3: {  	_ =	swait.ge @!p1 [sflag:s9], $0x2800  }
0xa4: {  	[sflag:s9] =	ssyncset.done @!p1 $0x0  }
0xa5: {  	s7 =	sadd.s32 @!p1 $0xA0, s7;
	s8 =	simm.s32 @!p1 $0x53C0;
	[sflag:s9] =	ssyncadd.s32 @!p1 $0xFFFFD800  }
0xa6: {  	[tilespmem:s8], [sflag:$0x3] =	stream.indirect.gather @!p1 [hbm4b:s1+s11], $0x80, s7, s11, $0xb8;
	[tilespmem:$0x1F040] =	vst v63  }
0xa7: {  	s20 =	sadd.s32 $0x1E, s20;
	_ =	swait.ge [sflag:s6], $0x500  }
0xa8: {  	p3 =	sne.s32 s20, $0x4EC;
	[sflag:s6] =	ssyncset.done $0x0  }
.Ltmp0:
0xa9: {  	[sflag:s6] =	ssyncadd.s32 $0xFFFFFB00;
	(pc) =	sbr.rel @p3 .LBB2_2-.Ltmp0, $4  }
0xaa: {  	s19 =	sadd.s32 $0x1, s19;
	_ =	swait.ge [sflag:s6], $0x500  }
0xab: {  	p4 =	sgt.u32 s19, $0x27;
	s18 =	smov.u32 s24;
	[sflag:s6] =	ssyncset.done $0x0  }
0xac: {  	p2 =	por p0, p0;
	p0 =	por p4, p4;
	[sflag:s6] =	ssyncadd.s32 $0xFFFFFB00  }
0xad: {  	s23 =	simm.s32 @!p2 $0x0;
	p1 =	seq.s32 s15, $0x4CE;
	_ =	swait.ge [sflag:s6], $0x500  }
0xae: {  	s7 =	rddreg [dreg:$0x6]  }
0xaf: {  	[sflag:s6] =	ssyncset.done $0x0;
	s8 =	rddreg [dreg:$0x7]  }
0xb0: {  	s9 =	sor.u32 @!p2 $0x8, s18;
	[sflag:s6] =	ssyncadd.s32 $0xFFFFFB00;
	s7 =	sadd.s32 @!p2 s21, s7  }
0xb1: {  	[tilespmem:s16], [sflag:s9] =	stream.linear.gather @!p2 [hbm4b:s7+s23], $0xF0, $0x38;
	[tilespmem:$0x1F040] =	vst v63  }
0xb2: {  	s16 =	sand.u32 $0x1, s19;
	s7 =	sadd.s32 @!p2 s21, s8  }
0xb3: {  	[tilespmem:s17], [sflag:s9] =	stream.linear.gather @!p2 [hbm4b:s7+s23], $0xF0, $0x38;
	[tilespmem:$0x1F040] =	vst v63  }
0xb4: {  	s17 =	smul.u32 $0xF0, s16;
	_ =	swait.ge [sflag:s25], $0x2800  }
0xb5: {  	[sflag:s25] =	ssyncset.done $0x0  }
0xb6: {  	s18 =	sadd.s32 $0x1E0, s17;
	[sflag:s25] =	ssyncadd.s32 $0xFFFFD800  }
0xb7: {  	[spmem:s2] =	stream.indirect.scatter.add.f32 [tilespmem:s31], [sflag:$0x4], $0x80, s18, s30, $0xb8;
	[tilespmem:$0x1F040] =	vst v63  }
0xb8: {  	s7 =	simm.s32 @p1 $0x2  }
0xb9: {  	[spmem:s4] =	stream.indirect.scatter.add.f32 [tilespmem:s26], [sflag:$0x7], $0x10, s18, s30, $0xb8;
	[tilespmem:$0x1F040] =	vst v63  }
0xba: {  	_ =	swait.ge @p1 [sflag:s7], $0x2800  }
0xbb: {  	s11 =	simm.s32 @p1 $0x2BC0;
	s8 =	sxor.u32 @!p1 $0x1, s16;
	[sflag:s7] =	ssyncset.done @p1 $0x0  }
0xbc: {  	s9 =	sadd.s32 @p1 $0x230, s17;
	[sflag:s7] =	ssyncadd.s32 @p1 $0xFFFFD800;
	s7 =	simm.s32 @p1 $0x50  }
0xbd: {  	[spmem:s2] =	stream.indirect.scatter.add.f32 @p1 [tilespmem:s11], [sflag:$0x5], $0x80, s9, s7, $0xb8;
	[tilespmem:$0x1F040] =	vst v63  }
0xbe: {  	s19 =	sor.u32 @!p1 $0x8, s8;
	s11 =	simm.s32 @p1 $0x7BC0  }
0xbf: {  	[spmem:s4] =	stream.indirect.scatter.add.f32 @p1 [tilespmem:s11], [sflag:$0x7], $0x10, s9, s7, $0xb8;
	[tilespmem:$0x1F040] =	vst v63  }
0xc0: {  	_ =	swait.ge @!p1 [sflag:s19], $0xF0  }
0xc1: {  	[sflag:s19] =	ssyncset.done @!p1 $0x0  }
0xc2: {  	[sflag:s19] =	ssyncadd.s32 @!p1 $0xFFFFFF10  }
0xc3: {  	_ =	swait.ge @!p1 [sflag:s19], $0xF0  }
0xc4: {  	[sflag:s19] =	ssyncset.done @!p1 $0x0  }
0xc5: {  	s7 =	simm.s32 @!p1 $0x4;
	[sflag:s19] =	ssyncadd.s32 @!p1 $0xFFFFFF10  }
0xc6: {  	s8 =	smul.u32 @!p1 $0x3C0, s8;
	_ =	swait.ge @!p1 [sflag:s7], $0x2800  }
0xc7: {  	s9 =	simm.s32 @!p1 $0x3C0;
	s11 =	simm.s32 @!p1 $0x2;
	[sflag:s7] =	ssyncset.done @!p1 $0x0  }
0xc8: {  	[sflag:s7] =	ssyncadd.s32 @!p1 $0xFFFFD800;
	s7 =	sshrl.u32 @!p1 s8, $0x2;
	s8 =	simm.s32 @!p1 $0x50  }
0xc9: {  	[tilespmem:s9], [sflag:$0x1] =	stream.indirect.gather @!p1 [hbm4b:s1+s8], $0x80, s7, s8, $0xb8;
	[tilespmem:$0x1F040] =	vst v63  }
0xca: {  	_ =	swait.ge @!p1 [sflag:s11], $0x2800  }
0xcb: {  	[sflag:s11] =	ssyncset.done @!p1 $0x0  }
0xcc: {  	s9 =	sadd.s32 @!p1 $0x230, s17;
	[sflag:s11] =	ssyncadd.s32 @!p1 $0xFFFFD800;
	s11 =	simm.s32 @!p1 $0x2BC0  }
0xcd: {  	[spmem:s2] =	stream.indirect.scatter.add.f32 @!p1 [tilespmem:s11], [sflag:$0x5], $0x80, s9, s8, $0xb8;
	[tilespmem:$0x1F040] =	vst v63  }
0xce: {  	s19 =	simm.s32 @!p1 $0x7BC0  }
0xcf: {  	[spmem:s4] =	stream.indirect.scatter.add.f32 @!p1 [tilespmem:s19], [sflag:$0x7], $0x10, s9, s8, $0xb8;
	[tilespmem:$0x1F040] =	vst v63  }
0xd0: {  	s9 =	simm.s32 @!p1 $0x5  }
0xd1: {  	_ =	swait.ge @!p1 [sflag:s9], $0x2800  }
0xd2: {  	[sflag:s9] =	ssyncset.done @!p1 $0x0  }
0xd3: {  	[sflag:s9] =	ssyncadd.s32 @!p1 $0xFFFFD800;
	s9 =	sadd.s32 @!p1 $0x50, s7  }
0xd4: {  	[tilespmem:s11], [sflag:$0x2] =	stream.indirect.gather @!p1 [hbm4b:s1+s8], $0x80, s9, s8, $0xb8;
	[tilespmem:$0x1F040] =	vst v63  }
0xd5: {  	_ =	swait.ge [sflag:s3], $0x2800  }
0xd6: {  	[sflag:s3] =	ssyncset.done $0x0  }
0xd7: {  	s29 =	sadd.s32 $0x280, s17;
	[sflag:s3] =	ssyncadd.s32 $0xFFFFD800  }
0xd8: {  	[spmem:s2] =	stream.indirect.scatter.add.f32 [tilespmem:s0], [sflag:$0x6], $0x80, s29, s30, $0xb8;
	[tilespmem:$0x1F040] =	vst v63  }
0xd9: {  	s9 =	simm.s32 @!p1 $0x6  }
0xda: {  	[spmem:s4] =	stream.indirect.scatter.add.f32 [tilespmem:s26], [sflag:$0x7], $0x10, s29, s30, $0xb8;
	[tilespmem:$0x1F040] =	vst v63  }
0xdb: {  	_ =	swait.ge @!p1 [sflag:s9], $0x2800  }
0xdc: {  	[sflag:s9] =	ssyncset.done @!p1 $0x0  }
0xdd: {  	s7 =	sadd.s32 @!p1 $0xA0, s7;
	[sflag:s9] =	ssyncadd.s32 @!p1 $0xFFFFD800;
	s9 =	simm.s32 @!p1 $0x53C0  }
0xde: {  	[tilespmem:s9], [sflag:$0x3] =	stream.indirect.gather @!p1 [hbm4b:s1+s8], $0x80, s7, s8, $0xb8;
	[tilespmem:$0x1F040] =	vst v63  }
0xdf: {  	_ =	swait.ge [sflag:s6], $0x500  }
0xe0: {  	[sflag:s6] =	ssyncset.done $0x0  }
0xe1: {  	[sflag:s6] =	ssyncadd.s32 $0xFFFFFB00  }
0xe2: {  	_ =	swait.ge [sflag:s6], $0x500  }
0xe3: {  	[sflag:s6] =	ssyncset.done $0x0  }
0xe4: {  	p0 =	por p0, p0;
	[sflag:s6] =	ssyncadd.s32 $0xFFFFFB00  }
0xe5: {  	s11 =	sor.u32 @!p0 $0x8, s16;
	_ =	swait.ge [sflag:s6], $0x500  }
0xe6: {  	s8 =	simm.s32 @!p0 $0x0;
	s7 =	rddreg [dreg:$0x6];
	[sflag:s6] =	ssyncset.done $0x0  }
0xe7: {  	s9 =	rddreg [dreg:$0x7];
	[sflag:s6] =	ssyncadd.s32 $0xFFFFFB00;
	s7 =	sadd.s32 @!p0 s15, s7  }
0xe8: {  	[tilespmem:s17], [sflag:s11] =	stream.linear.gather @!p0 [hbm4b:s7+s8], $0xF0, $0x38;
	[tilespmem:$0x1F040] =	vst v63  }
0xe9: {  	s7 =	sadd.s32 @!p0 s15, s9  }
0xea: {  	[tilespmem:s18], [sflag:s11] =	stream.linear.gather @!p0 [hbm4b:s7+s8], $0xF0, $0x38;
	[tilespmem:$0x1F040] =	vst v63  }
0xeb: {  	s8 =	simm.s32 $0x4  }
0xec: {  	_ =	swait.ge [sflag:s8], $0x2800  }
0xed: {  	[sflag:s8] =	ssyncset.done $0x0  }
0xee: {  	s9 =	simm.s32 $0x5;
	[sflag:s8] =	ssyncadd.s32 $0xFFFFD800  }
0xef: {  	_ =	swait.ge [sflag:s9], $0x2800  }
0xf0: {  	[sflag:s9] =	ssyncset.done $0x0  }
0xf1: {  	s11 =	simm.s32 $0x6;
	[sflag:s9] =	ssyncadd.s32 $0xFFFFD800  }
0xf2: {  	_ =	swait.ge [sflag:s11], $0x2800  }
0xf3: {  	[sflag:s11] =	ssyncset.done $0x0  }
0xf4: {  	[sflag:s11] =	ssyncadd.s32 $0xFFFFD800  }
0xf5: {  	[bflag:$0x0] =	sbarrier.arrive $0xFFFF  }
0xf6: {  	s15 =	rddreg [dreg:$0x11]  }
0xf7: {  	[hbm:s15], [sflag:s13] =	dma.local [spmem:s14], $0x2800  }
0xf8: {  	_ =	swait.ge [sflag:s28], $0x2800  }
0xf9: {  	[sflag:s28] =	ssyncset.done $0x0  }
0xfa: {  	s11 =	rddreg [dreg:$0xd];
	[sflag:s28] =	ssyncadd.s32 $0xFFFFD800  }
0xfb: {  	[tilespmem:s10], [sflag:$0xA] =	stream.linear.gather [spmem:s11], $0x500, $0x38;
	[tilespmem:$0x1F040] =	vst v63  }
0xfc: {  	_ =	swait.ge [sflag:s28], $0x500  }
0xfd: {  	[sflag:s28] =	ssyncset.done $0x0  }
0xfe: {  	[sflag:s28] =	ssyncadd.s32 $0xFFFFFB00  }
0xff: {  	v5 =	vld.idx.msk [tilespmem:v0+s10+$0x0], $0xffff;
	_ =	sdelay $0x4  }
0x100: {  	[tilespmem:$0x85C0] =	vst v5  }
0x101: {  	v5 =	vld.idx.msk [tilespmem:v1+s10+$0x0], $0xffff;
	_ =	sdelay $0x4  }
0x102: {  	[tilespmem:$0x85D0] =	vst v5  }
0x103: {  	v5 =	vld.idx.msk [tilespmem:v2+s10+$0x0], $0xffff;
	_ =	sdelay $0x4  }
0x104: {  	[tilespmem:$0x85E0] =	vst v5  }
0x105: {  	v5 =	vld.idx.msk [tilespmem:v3+s10+$0x0], $0xffff;
	_ =	sdelay $0x4  }
0x106: {  	[tilespmem:$0x85F0] =	vst v5  }
0x107: {  	v5 =	vld.idx.msk [tilespmem:v4+s10+$0x0], $0xffff;
	_ =	sdelay $0x4  }
0x108: {  	s16 =	rddreg [dreg:$0x12];
	[tilespmem:$0x8600] =	vst v5  }
0x109: {  	[tilespmem:s10], [sflag:$0xA] =	stream.linear.gather [spmem:s16], $0x500, $0x38;
	[tilespmem:$0x1F040] =	vst v63  }
0x10a: {  	_ =	swait.ge [sflag:s28], $0x500  }
0x10b: {  	[sflag:s28] =	ssyncset.done $0x0  }
0x10c: {  	[sflag:s28] =	ssyncadd.s32 $0xFFFFFB00  }
0x10d: {  	v5 =	vld.idx.msk [tilespmem:v0+s10+$0x0], $0xffff;
	_ =	sdelay $0x4  }
0x10e: {  	[tilespmem:$0x8610] =	vst v5  }
0x10f: {  	v5 =	vld.idx.msk [tilespmem:v1+s10+$0x0], $0xffff;
	_ =	sdelay $0x4  }
0x110: {  	[tilespmem:$0x8620] =	vst v5  }
0x111: {  	v5 =	vld.idx.msk [tilespmem:v2+s10+$0x0], $0xffff;
	_ =	sdelay $0x4  }
0x112: {  	[tilespmem:$0x8630] =	vst v5  }
0x113: {  	v5 =	vld.idx.msk [tilespmem:v3+s10+$0x0], $0xffff;
	_ =	sdelay $0x4  }
0x114: {  	[tilespmem:$0x8640] =	vst v5  }
0x115: {  	v5 =	vld.idx.msk [tilespmem:v4+s10+$0x0], $0xffff;
	_ =	sdelay $0x4  }
0x116: {  	s17 =	rddreg [dreg:$0x13];
	[tilespmem:$0x8650] =	vst v5  }
0x117: {  	[tilespmem:s10], [sflag:$0xA] =	stream.linear.gather [spmem:s17], $0x500, $0x38;
	[tilespmem:$0x1F040] =	vst v63  }
0x118: {  	_ =	swait.ge [sflag:s28], $0x500  }
0x119: {  	[sflag:s28] =	ssyncset.done $0x0  }
0x11a: {  	[sflag:s28] =	ssyncadd.s32 $0xFFFFFB00  }
0x11b: {  	v5 =	vld.idx.msk [tilespmem:v0+s10+$0x0], $0xffff;
	_ =	sdelay $0x4  }
0x11c: {  	[tilespmem:$0x8660] =	vst v5  }
0x11d: {  	v5 =	vld.idx.msk [tilespmem:v1+s10+$0x0], $0xffff;
	_ =	sdelay $0x4  }
0x11e: {  	[tilespmem:$0x8670] =	vst v5  }
0x11f: {  	v5 =	vld.idx.msk [tilespmem:v2+s10+$0x0], $0xffff;
	_ =	sdelay $0x4  }
0x120: {  	[tilespmem:$0x8680] =	vst v5  }
0x121: {  	v5 =	vld.idx.msk [tilespmem:v3+s10+$0x0], $0xffff;
	_ =	sdelay $0x4  }
0x122: {  	[tilespmem:$0x8690] =	vst v5  }
0x123: {  	v5 =	vld.idx.msk [tilespmem:v4+s10+$0x0], $0xffff;
	_ =	sdelay $0x4  }
0x124: {  	s18 =	rddreg [dreg:$0x14];
	[tilespmem:$0x86A0] =	vst v5  }
0x125: {  	[tilespmem:s10], [sflag:$0xA] =	stream.linear.gather [spmem:s18], $0x500, $0x38;
	[tilespmem:$0x1F040] =	vst v63  }
0x126: {  	_ =	swait.ge [sflag:s28], $0x500  }
0x127: {  	[sflag:s28] =	ssyncset.done $0x0  }
0x128: {  	[sflag:s28] =	ssyncadd.s32 $0xFFFFFB00  }
0x129: {  	v5 =	vld.idx.msk [tilespmem:v0+s10+$0x0], $0xffff;
	_ =	sdelay $0x4  }
0x12a: {  	[tilespmem:$0x86B0] =	vst v5  }
0x12b: {  	v5 =	vld.idx.msk [tilespmem:v1+s10+$0x0], $0xffff;
	_ =	sdelay $0x4  }
0x12c: {  	[tilespmem:$0x86C0] =	vst v5  }
0x12d: {  	v5 =	vld.idx.msk [tilespmem:v2+s10+$0x0], $0xffff;
	_ =	sdelay $0x4  }
0x12e: {  	[tilespmem:$0x86D0] =	vst v5  }
0x12f: {  	v5 =	vld.idx.msk [tilespmem:v3+s10+$0x0], $0xffff;
	_ =	sdelay $0x4  }
0x130: {  	[tilespmem:$0x86E0] =	vst v5  }
0x131: {  	v5 =	vld.idx.msk [tilespmem:v4+s10+$0x0], $0xffff;
	_ =	sdelay $0x4  }
0x132: {  	s19 =	rddreg [dreg:$0x15];
	[tilespmem:$0x86F0] =	vst v5  }
0x133: {  	[tilespmem:s10], [sflag:$0xA] =	stream.linear.gather [spmem:s19], $0x500, $0x38;
	[tilespmem:$0x1F040] =	vst v63  }
0x134: {  	_ =	swait.ge [sflag:s28], $0x500  }
0x135: {  	[sflag:s28] =	ssyncset.done $0x0  }
0x136: {  	[sflag:s28] =	ssyncadd.s32 $0xFFFFFB00  }
0x137: {  	v5 =	vld.idx.msk [tilespmem:v0+s10+$0x0], $0xffff;
	_ =	sdelay $0x4  }
0x138: {  	[tilespmem:$0x8700] =	vst v5  }
0x139: {  	v5 =	vld.idx.msk [tilespmem:v1+s10+$0x0], $0xffff;
	_ =	sdelay $0x4  }
0x13a: {  	[tilespmem:$0x8710] =	vst v5  }
0x13b: {  	v5 =	vld.idx.msk [tilespmem:v2+s10+$0x0], $0xffff;
	_ =	sdelay $0x4  }
0x13c: {  	[tilespmem:$0x8720] =	vst v5  }
0x13d: {  	v5 =	vld.idx.msk [tilespmem:v3+s10+$0x0], $0xffff;
	_ =	sdelay $0x4  }
0x13e: {  	[tilespmem:$0x8730] =	vst v5  }
0x13f: {  	v5 =	vld.idx.msk [tilespmem:v4+s10+$0x0], $0xffff;
	_ =	sdelay $0x4  }
0x140: {  	s20 =	rddreg [dreg:$0x16];
	[tilespmem:$0x8740] =	vst v5  }
0x141: {  	[tilespmem:s10], [sflag:$0xA] =	stream.linear.gather [spmem:s20], $0x500, $0x38;
	[tilespmem:$0x1F040] =	vst v63  }
0x142: {  	_ =	swait.ge [sflag:s28], $0x500  }
0x143: {  	[sflag:s28] =	ssyncset.done $0x0  }
0x144: {  	[sflag:s28] =	ssyncadd.s32 $0xFFFFFB00  }
0x145: {  	v5 =	vld.idx.msk [tilespmem:v0+s10+$0x0], $0xffff;
	_ =	sdelay $0x4  }
0x146: {  	[tilespmem:$0x8750] =	vst v5  }
0x147: {  	v5 =	vld.idx.msk [tilespmem:v1+s10+$0x0], $0xffff;
	_ =	sdelay $0x4  }
0x148: {  	[tilespmem:$0x8760] =	vst v5  }
0x149: {  	v5 =	vld.idx.msk [tilespmem:v2+s10+$0x0], $0xffff;
	_ =	sdelay $0x4  }
0x14a: {  	[tilespmem:$0x8770] =	vst v5  }
0x14b: {  	v5 =	vld.idx.msk [tilespmem:v3+s10+$0x0], $0xffff;
	_ =	sdelay $0x4  }
0x14c: {  	[tilespmem:$0x8780] =	vst v5  }
0x14d: {  	v5 =	vld.idx.msk [tilespmem:v4+s10+$0x0], $0xffff;
	_ =	sdelay $0x4  }
0x14e: {  	s21 =	rddreg [dreg:$0x17];
	[tilespmem:$0x8790] =	vst v5  }
0x14f: {  	[tilespmem:s10], [sflag:$0xA] =	stream.linear.gather [spmem:s21], $0x500, $0x38;
	[tilespmem:$0x1F040] =	vst v63  }
0x150: {  	_ =	swait.ge [sflag:s28], $0x500  }
0x151: {  	[sflag:s28] =	ssyncset.done $0x0  }
0x152: {  	[sflag:s28] =	ssyncadd.s32 $0xFFFFFB00  }
0x153: {  	v5 =	vld.idx.msk [tilespmem:v0+s10+$0x0], $0xffff;
	_ =	sdelay $0x4  }
0x154: {  	[tilespmem:$0x87A0] =	vst v5  }
0x155: {  	v5 =	vld.idx.msk [tilespmem:v1+s10+$0x0], $0xffff;
	_ =	sdelay $0x4  }
0x156: {  	[tilespmem:$0x87B0] =	vst v5  }
0x157: {  	v5 =	vld.idx.msk [tilespmem:v2+s10+$0x0], $0xffff;
	_ =	sdelay $0x4  }
0x158: {  	[tilespmem:$0x87C0] =	vst v5  }
0x159: {  	v5 =	vld.idx.msk [tilespmem:v3+s10+$0x0], $0xffff;
	_ =	sdelay $0x4  }
0x15a: {  	[tilespmem:$0x87D0] =	vst v5  }
0x15b: {  	v5 =	vld.idx.msk [tilespmem:v4+s10+$0x0], $0xffff;
	_ =	sdelay $0x4  }
0x15c: {  	s22 =	rddreg [dreg:$0x18];
	[tilespmem:$0x87E0] =	vst v5  }
0x15d: {  	[tilespmem:s10], [sflag:$0xA] =	stream.linear.gather [spmem:s22], $0x500, $0x38;
	[tilespmem:$0x1F040] =	vst v63  }
0x15e: {  	_ =	swait.ge [sflag:s28], $0x500  }
0x15f: {  	[sflag:s28] =	ssyncset.done $0x0  }
0x160: {  	[sflag:s28] =	ssyncadd.s32 $0xFFFFFB00  }
0x161: {  	v5 =	vld.idx.msk [tilespmem:v0+s10+$0x0], $0xffff;
	_ =	sdelay $0x4  }
0x162: {  	[tilespmem:$0x87F0] =	vst v5  }
0x163: {  	v5 =	vld.idx.msk [tilespmem:v1+s10+$0x0], $0xffff;
	_ =	sdelay $0x4  }
0x164: {  	[tilespmem:$0x8800] =	vst v5  }
0x165: {  	v5 =	vld.idx.msk [tilespmem:v2+s10+$0x0], $0xffff;
	_ =	sdelay $0x4  }
0x166: {  	[tilespmem:$0x8810] =	vst v5  }
0x167: {  	v5 =	vld.idx.msk [tilespmem:v3+s10+$0x0], $0xffff;
	_ =	sdelay $0x4  }
0x168: {  	[tilespmem:$0x8820] =	vst v5  }
0x169: {  	v5 =	vld.idx.msk [tilespmem:v4+s10+$0x0], $0xffff;
	_ =	sdelay $0x4  }
0x16a: {  	s24 =	simm.s32 $0x85C0;
	s23 =	rddreg [dreg:$0x19];
	[tilespmem:$0x8830] =	vst v5  }
0x16b: {  	[hbm4b:s23+s5] =	stream.linear.scatter [tilespmem:s24], [sflag:$0xA], $0x280, $0x38;
	[tilespmem:$0x1F040] =	vst v63  }
0x16c: {  	_ =	swait.ge [sflag:s28], $0x280  }
0x16d: {  	s12 =	sadd.s32 $0x1, s12;
	s29 =	rddreg [dreg:$0x1a]  }
0x16e: {  	p0 =	sne.s32 s12, s29  }
.Ltmp1:
0x16f: {  	_ = 	snop;
	(pc) =	sbr.rel @p0 .LBB2_1-.Ltmp1, $3  }
0x170: {  	_ =	sdelay $0x1  }
0x171: {  	[sflag:s28] =	ssyncset.done $0x0  }
0x172: {  	[sflag:s28] =	ssyncadd.s32 $0xFFFFFD80  }
0x173: {  	_ =	sfence.sel $0x180000  }
0x174: {  	[bflag:$0x0] =	sbarrier.arrive $0xFFFF  }
0x175: {  	_ =	strace $0x90000047  }
0x176: {  	s0 =	stileid.u32;
	[bflag:$0x2] =	sbarrier.arrive $0xFFFF  }
0x177: {  	p0 =	sne.s32 s0, $0x0;
	s0 =	rddreg [dreg:$0x5]  }
0x178: {  	s0 =	sadd.s32 @!p0 $0x100000, s0  }
0x179: {  	[sflag:s0] =	ssyncadd.tile.s32 @!p0 $0x1;
	_ =	shalt  }
.Lfunc_end2:
_tile_overlayer_lowered:
.L_overlay_start_2:
0x17a: {  	(tag) =	ssettag $0x2  }
0x17b: {  	s0 =	rddreg [dreg:$0x0];
	s2 =	stileid.u32  }
0x17c: {  	s1 =	rddreg [dreg:$0x1];
	p0 =	sne.s32 s2, $0x0  }
0x17d: {  	s3 =	rddreg [dreg:$0x2];
	[bflag:$0x3] =	sbarrier.arrive $0xFFFF;
	s2 =	simm.s32 @!p0 $0x1C0A  }
0x17e: {  	[timem:s3], [sflag:s2] =	dma.local @!p0 [hbm:s0], s1  }
0x17f: {  	s0 =	simm.s32 @!p0 $0xA  }
0x180: {  	_ =	swait.ge @!p0 [sflag:s0], s1  }
0x181: {  	s1 =	ssub.s32 @!p0 $0x0, s1;
	[sflag:s0] =	ssyncset.done @!p0 $0x0  }
0x182: {  	[sflag:s0] =	ssyncadd.s32 @!p0 s1  }
0x183: {  	[bflag:$0x3] =	sbarrier.arrive $0xFFFF  }
0x184: {  	_ =	shalt  }

</sc_bundles>
